<compile_context>
chip_gen: v7x
topology: tpu7x:2x2x1
jax: 0.10.2.dev20260603
libtpu: 0.0.44.dev20260713+nightly
codegen_flags: <defaults>
</compile_context>

<pallas_src>
import functools

import jax
import jax.numpy as jnp
from jax import lax
from jax.experimental import pallas as pl
from jax.experimental.pallas import tpu as pltpu
from jax.experimental.pallas import tpu_sc as plsc

N = 10000
E = 160000
D = 256
HALF = D // 2

NUM_CORES = 2
NUM_SUBCORES = 16
EDGES_PER_TILE = E // NUM_SUBCORES
CHUNK = 80
NCHUNKS = EDGES_PER_TILE // CHUNK
ZROWS = 80
NZCHUNKS = N // ZROWS
LANES = 16


def _sc_body(x2, ea2, src_hbm, dst_hbm, out_hbm,
             agg_sh, zbuf, src_v, dst_v, eidx_v, xrow_v, earow_v,
             sem_x, sem_e):
    c = lax.axis_index("c")
    s = lax.axis_index("s")

    def _zero_row(r, _):
        for k in range(HALF // LANES):
            zbuf[r, pl.ds(k * LANES, LANES)] = jnp.zeros((LANES,), jnp.float32)
        return _
    lax.fori_loop(0, ZROWS, _zero_row, None)

    def _zero_chunk(t, _):
        ch = s + t * NUM_SUBCORES
        @pl.when(ch < NZCHUNKS)
        def _():
            pltpu.sync_copy(zbuf, agg_sh.at[pl.ds(ch * ZROWS, ZROWS)])
        return _
    lax.fori_loop(0, pl.cdiv(NZCHUNKS, NUM_SUBCORES), _zero_chunk, None)
    plsc.subcore_barrier()

    def _chunk(t, _):
        base = s * EDGES_PER_TILE + t * CHUNK
        pltpu.sync_copy(src_hbm.at[pl.ds(base, CHUNK)], src_v)
        pltpu.sync_copy(dst_hbm.at[pl.ds(base, CHUNK)], dst_v)
        iota = lax.iota(jnp.int32, LANES)
        for k in range(CHUNK // LANES):
            sl = pl.ds(k * LANES, LANES)
            src_v[sl] = src_v[sl] * 2 + c
            eidx_v[sl] = iota * 2 + (2 * (base + k * LANES) + c)
        gx = pltpu.async_copy(x2.at[src_v], xrow_v, sem_x)
        ge = pltpu.async_copy(ea2.at[eidx_v], earow_v, sem_e)
        gx.wait()
        ge.wait()

        def _add_row(r, _):
            for k in range(HALF // LANES):
                sl = pl.ds(k * LANES, LANES)
                xrow_v[r, sl] = xrow_v[r, sl] + earow_v[r, sl]
            return _
        lax.fori_loop(0, CHUNK, _add_row, None)

        pltpu.sync_copy(xrow_v, agg_sh.at[dst_v], add=True)
        return _
    lax.fori_loop(0, NCHUNKS, _chunk, None)

    plsc.subcore_barrier()

    def _wb_chunk(t, _):
        ch = s + t * NUM_SUBCORES
        @pl.when(ch < NZCHUNKS)
        def _():
            off = ch * ZROWS
            pltpu.sync_copy(agg_sh.at[pl.ds(off, ZROWS)], zbuf)
            pltpu.sync_copy(zbuf, out_hbm.at[pl.ds(c * N + off, ZROWS)])
        return _
    lax.fori_loop(0, pl.cdiv(NZCHUNKS, NUM_SUBCORES), _wb_chunk, None)


def _sc_aggregate(x2, ea2, src, dst):
    mesh = plsc.VectorSubcoreMesh(
        core_axis_name="c", subcore_axis_name="s",
        num_cores=NUM_CORES, num_subcores=NUM_SUBCORES)
    return pl.kernel(
        _sc_body,
        out_type=jax.ShapeDtypeStruct((2 * N, HALF), jnp.float32),
        mesh=mesh,
        scratch_types=[
            pltpu.VMEM_SHARED((N, HALF), jnp.float32),
            pltpu.VMEM((ZROWS, HALF), jnp.float32),
            pltpu.VMEM((CHUNK,), jnp.int32),
            pltpu.VMEM((CHUNK,), jnp.int32),
            pltpu.VMEM((CHUNK,), jnp.int32),
            pltpu.VMEM((CHUNK, HALF), jnp.float32),
            pltpu.VMEM((CHUNK, HALF), jnp.float32),
            pltpu.SemaphoreType.DMA,
            pltpu.SemaphoreType.DMA,
        ],
    )(x2, ea2, src, dst)


ROW_BLK = 1000
PHM = 4
WBLK = 64


def _tc_body(pr_ref, w_ref, a0_ref, a1_ref, x_ref, b_ref, o_ref, h_ref):
    @pl.when(pl.program_id(0) == 0)
    def _build_h():
        for i in range(PHM):
            for j in range(PHM):
                acc = pr_ref[0, i, j] * w_ref[0]
                for n in range(1, PHM):
                    acc = acc + pr_ref[n, i, j] * w_ref[n]
                h_ref[i * WBLK:(i + 1) * WBLK, j * WBLK:(j + 1) * WBLK] = acc

    h0 = h_ref[:, 0:HALF]
    h1 = h_ref[:, HALF:D]
    dims = (((1,), (1,)), ((), ()))
    out = lax.dot_general(a0_ref[...], h0, dims,
                          preferred_element_type=jnp.float32)
    out = out + lax.dot_general(a1_ref[...], h1, dims,
                                preferred_element_type=jnp.float32)
    o_ref[...] = out + x_ref[...] + b_ref[...]


def _tc_phm(phm_rule, W, a0, a1, x, b2):
    grid = (N // ROW_BLK,)
    return pl.pallas_call(
        _tc_body,
        grid=grid,
        in_specs=[
            pl.BlockSpec(memory_space=pltpu.SMEM),
            pl.BlockSpec((PHM, WBLK, WBLK), lambda i: (0, 0, 0)),
            pl.BlockSpec((ROW_BLK, HALF), lambda i: (i, 0)),
            pl.BlockSpec((ROW_BLK, HALF), lambda i: (i, 0)),
            pl.BlockSpec((ROW_BLK, D), lambda i: (i, 0)),
            pl.BlockSpec((1, D), lambda i: (0, 0)),
        ],
        out_specs=pl.BlockSpec((ROW_BLK, D), lambda i: (i, 0)),
        out_shape=jax.ShapeDtypeStruct((N, D), jnp.float32),
        scratch_shapes=[pltpu.VMEM((D, D), jnp.float32)],
    )(phm_rule, W, a0, a1, x, b2)


def kernel(x, edge_index, edge_attr, phm_rule, W, b):
    src = edge_index[0]
    dst = edge_index[1]
    x2 = x.reshape(2 * N, HALF)
    ea2 = edge_attr.reshape(2 * E, HALF)
    agg = _sc_aggregate(x2, ea2, src, dst)
    a0 = agg[:N]
    a1 = agg[N:]
    return _tc_phm(phm_rule, W, a0, a1, x, b.reshape(1, D))

# --- scband reference (transcript-rebuilt; emitter-appended) ---
"""Pipeline reference for scband-phmmessage-passing-38663295598900 (READ-ONLY COPY).

The authoritative reference and input builder live on the scoring server;
editing this copy changes nothing except your own understanding.
"""

import jax, jax.numpy as jnp
import numpy as np

N = 10000
E = 160000
D = 256
PHM = 4


def setup_inputs(seed: int = 0) -> dict:
    key = jax.random.key(seed)
    k1, k2, k3, k4, k5 = jax.random.split(key, 5)
    x = jax.random.normal(k1, (N, D), dtype=jnp.float32)
    edge_index = jax.random.randint(k2, (2, E), 0, N, dtype=jnp.int32)
    edge_attr = jax.random.normal(k3, (E, D), dtype=jnp.float32)
    # PHM linear parameters: phm_rule (contribution matrices) A_i [phm_dim, phm_dim]
    # and per-component weight matrices W_i [out/phm_dim, in/phm_dim]
    phm_rule = jax.random.normal(k4, (PHM, PHM, PHM), dtype=jnp.float32) * 0.5
    W = jax.random.normal(k5, (PHM, D // PHM, D // PHM), dtype=jnp.float32) * 0.05
    b = jnp.zeros((D,), dtype=jnp.float32)
    return {"x": x, "edge_index": edge_index, "edge_attr": edge_attr,
            "phm_rule": phm_rule, "W": W, "b": b}


def _phm_linear(h, phm_rule, W, b):
    # H = sum_i kron(A_i, W_i)  -> shape [out_features, in_features]
    # kron(A, B)[i*B0+k, j*B1+l] = A[i, j] * B[k, l]
    p, wo, wi = W.shape[0], W.shape[1], W.shape[2]
    H = jnp.einsum('nij,nkl->ikjl', phm_rule, W).reshape(phm_rule.shape[1] * wo,
                                                         phm_rule.shape[2] * wi)
    return h @ H.T + b


def reference(x, edge_index, edge_attr, phm_rule, W, b):
    src = edge_index[0]
    dst = edge_index[1]
    # message: msg_encoder == identity -> x_j + edge_attr
    msg = jnp.take(x, src, axis=0) + edge_attr
    # aggregate: scatter-add over destination nodes
    agg = jax.ops.segment_sum(msg, dst, num_segments=x.shape[0])
    # same_dim=True: transform first, then add self-loop residual
    out = _phm_linear(agg, phm_rule, W, b)
    out = out + x
    return out

if __name__ == "__main__":
    import jax
    _d = setup_inputs()
    print(jax.jit(kernel)(*tuple(_d.values())))

</pallas_src>

<mosaic_0001>
#map = affine_map<(d0, d1) -> (0, 0)>
#map1 = affine_map<(d0, d1) -> (0)>
module attributes {stable_mosaic.version = 14 : i64} {
  func.func @_sc_body(%arg0: i32, %arg1: i32, %arg2: memref<20000x128xf32, #tpu.memory_space<hbm>>, %arg3: memref<320000x128xf32, #tpu.memory_space<hbm>>, %arg4: memref<160000xi32, #tpu.memory_space<hbm>>, %arg5: memref<160000xi32, #tpu.memory_space<hbm>>, %arg6: memref<20000x128xf32, #tpu.memory_space<hbm>>, %arg7: memref<10000x128xf32, #tpu.memory_space<vmem_shared>>, %arg8: memref<80x128xf32, #tpu.memory_space<vmem>>, %arg9: memref<80xi32, #tpu.memory_space<vmem>>, %arg10: memref<80xi32, #tpu.memory_space<vmem>>, %arg11: memref<80xi32, #tpu.memory_space<vmem>>, %arg12: memref<80x128xf32, #tpu.memory_space<vmem>>, %arg13: memref<80x128xf32, #tpu.memory_space<vmem>>, %arg14: memref<!tpu.dma_semaphore, #tpu.memory_space<semaphore_mem>>, %arg15: memref<!tpu.dma_semaphore, #tpu.memory_space<semaphore_mem>>) attributes {dimension_semantics = [#tpu.dimension_semantics<core_parallel>, #tpu.dimension_semantics<subcore_parallel>], iteration_bounds = array<i64: 2, 16>, scalar_prefetch = 0 : i64, scratch_operands = 9 : i64, tpu.core_type = #tpu.core_type<sc_vector_subcore>, window_params = [{transform_indices = #map}, {transform_indices = #map}, {transform_indices = #map1}, {transform_indices = #map1}, {transform_indices = #map}]} {
    %scan3A = arith.constant 0 : i32
    %scan3A_0 = arith.constant 80 : i32
    %scan3A_1 = arith.addi %scan3A, %scan3A_0 : i32
    %scan3A_2 = arith.constant 1 : i32
    scf.for %scan3A_20 = %scan3A to %scan3A_1 step %scan3A_2  : i32 {
      %broadcast_in_dim3A = arith.constant 0.000000e+00 : f32
      %broadcast_in_dim3A_21 = vector.broadcast %broadcast_in_dim3A : f32 to vector<16xf32>
      %swap3A = arith.index_cast %scan3A_20 : i32 to index
      %swap3A_22 = arith.constant 0 : index
      %swap3A_23 = tpu.vector_load %arg8[%swap3A, %swap3A_22] {strides = array<i32>} : memref<80x128xf32, #tpu.memory_space<vmem>>, vector<1x16xf32>,
      %swap3A_24 = vector.shape_cast %swap3A_23 : vector<1x16xf32> to vector<16xf32>
      %swap3A_25 = vector.shape_cast %broadcast_in_dim3A_21 : vector<16xf32> to vector<1x16xf32>
      tpu.vector_store %arg8[%swap3A, %swap3A_22], %swap3A_25 {strides = array<i32>} : memref<80x128xf32, #tpu.memory_space<vmem>>, vector<1x16xf32>,
      %broadcast_in_dim3A_26 = arith.constant 0.000000e+00 : f32
      %broadcast_in_dim3A_27 = vector.broadcast %broadcast_in_dim3A_26 : f32 to vector<16xf32>
      %swap3A_28 = arith.index_cast %scan3A_20 : i32 to index
      %swap3A_29 = arith.constant 16 : index
      %swap3A_30 = tpu.vector_load %arg8[%swap3A_28, %swap3A_29] {strides = array<i32>} : memref<80x128xf32, #tpu.memory_space<vmem>>, vector<1x16xf32>,
      %swap3A_31 = vector.shape_cast %swap3A_30 : vector<1x16xf32> to vector<16xf32>
      %swap3A_32 = vector.shape_cast %broadcast_in_dim3A_27 : vector<16xf32> to vector<1x16xf32>
      tpu.vector_store %arg8[%swap3A_28, %swap3A_29], %swap3A_32 {strides = array<i32>} : memref<80x128xf32, #tpu.memory_space<vmem>>, vector<1x16xf32>,
      %broadcast_in_dim3A_33 = arith.constant 0.000000e+00 : f32
      %broadcast_in_dim3A_34 = vector.broadcast %broadcast_in_dim3A_33 : f32 to vector<16xf32>
      %swap3A_35 = arith.index_cast %scan3A_20 : i32 to index
      %swap3A_36 = arith.constant 32 : index
      %swap3A_37 = tpu.vector_load %arg8[%swap3A_35, %swap3A_36] {strides = array<i32>} : memref<80x128xf32, #tpu.memory_space<vmem>>, vector<1x16xf32>,
      %swap3A_38 = vector.shape_cast %swap3A_37 : vector<1x16xf32> to vector<16xf32>
      %swap3A_39 = vector.shape_cast %broadcast_in_dim3A_34 : vector<16xf32> to vector<1x16xf32>
      tpu.vector_store %arg8[%swap3A_35, %swap3A_36], %swap3A_39 {strides = array<i32>} : memref<80x128xf32, #tpu.memory_space<vmem>>, vector<1x16xf32>,
      %broadcast_in_dim3A_40 = arith.constant 0.000000e+00 : f32
      %broadcast_in_dim3A_41 = vector.broadcast %broadcast_in_dim3A_40 : f32 to vector<16xf32>
      %swap3A_42 = arith.index_cast %scan3A_20 : i32 to index
      %swap3A_43 = arith.constant 48 : index
      %swap3A_44 = tpu.vector_load %arg8[%swap3A_42, %swap3A_43] {strides = array<i32>} : memref<80x128xf32, #tpu.memory_space<vmem>>, vector<1x16xf32>,
      %swap3A_45 = vector.shape_cast %swap3A_44 : vector<1x16xf32> to vector<16xf32>
      %swap3A_46 = vector.shape_cast %broadcast_in_dim3A_41 : vector<16xf32> to vector<1x16xf32>
      tpu.vector_store %arg8[%swap3A_42, %swap3A_43], %swap3A_46 {strides = array<i32>} : memref<80x128xf32, #tpu.memory_space<vmem>>, vector<1x16xf32>,
      %broadcast_in_dim3A_47 = arith.constant 0.000000e+00 : f32
      %broadcast_in_dim3A_48 = vector.broadcast %broadcast_in_dim3A_47 : f32 to vector<16xf32>
      %swap3A_49 = arith.index_cast %scan3A_20 : i32 to index
      %swap3A_50 = arith.constant 64 : index
      %swap3A_51 = tpu.vector_load %arg8[%swap3A_49, %swap3A_50] {strides = array<i32>} : memref<80x128xf32, #tpu.memory_space<vmem>>, vector<1x16xf32>,
      %swap3A_52 = vector.shape_cast %swap3A_51 : vector<1x16xf32> to vector<16xf32>
      %swap3A_53 = vector.shape_cast %broadcast_in_dim3A_48 : vector<16xf32> to vector<1x16xf32>
      tpu.vector_store %arg8[%swap3A_49, %swap3A_50], %swap3A_53 {strides = array<i32>} : memref<80x128xf32, #tpu.memory_space<vmem>>, vector<1x16xf32>,
      %broadcast_in_dim3A_54 = arith.constant 0.000000e+00 : f32
      %broadcast_in_dim3A_55 = vector.broadcast %broadcast_in_dim3A_54 : f32 to vector<16xf32>
      %swap3A_56 = arith.index_cast %scan3A_20 : i32 to index
      %swap3A_57 = arith.constant 80 : index
      %swap3A_58 = tpu.vector_load %arg8[%swap3A_56, %swap3A_57] {strides = array<i32>} : memref<80x128xf32, #tpu.memory_space<vmem>>, vector<1x16xf32>,
      %swap3A_59 = vector.shape_cast %swap3A_58 : vector<1x16xf32> to vector<16xf32>
      %swap3A_60 = vector.shape_cast %broadcast_in_dim3A_55 : vector<16xf32> to vector<1x16xf32>
      tpu.vector_store %arg8[%swap3A_56, %swap3A_57], %swap3A_60 {strides = array<i32>} : memref<80x128xf32, #tpu.memory_space<vmem>>, vector<1x16xf32>,
      %broadcast_in_dim3A_61 = arith.constant 0.000000e+00 : f32
      %broadcast_in_dim3A_62 = vector.broadcast %broadcast_in_dim3A_61 : f32 to vector<16xf32>
      %swap3A_63 = arith.index_cast %scan3A_20 : i32 to index
      %swap3A_64 = arith.constant 96 : index
      %swap3A_65 = tpu.vector_load %arg8[%swap3A_63, %swap3A_64] {strides = array<i32>} : memref<80x128xf32, #tpu.memory_space<vmem>>, vector<1x16xf32>,
      %swap3A_66 = vector.shape_cast %swap3A_65 : vector<1x16xf32> to vector<16xf32>
      %swap3A_67 = vector.shape_cast %broadcast_in_dim3A_62 : vector<16xf32> to vector<1x16xf32>
      tpu.vector_store %arg8[%swap3A_63, %swap3A_64], %swap3A_67 {strides = array<i32>} : memref<80x128xf32, #tpu.memory_space<vmem>>, vector<1x16xf32>,
      %broadcast_in_dim3A_68 = arith.constant 0.000000e+00 : f32
      %broadcast_in_dim3A_69 = vector.broadcast %broadcast_in_dim3A_68 : f32 to vector<16xf32>
      %swap3A_70 = arith.index_cast %scan3A_20 : i32 to index
      %swap3A_71 = arith.constant 112 : index
      %swap3A_72 = tpu.vector_load %arg8[%swap3A_70, %swap3A_71] {strides = array<i32>} : memref<80x128xf32, #tpu.memory_space<vmem>>, vector<1x16xf32>,
      %swap3A_73 = vector.shape_cast %swap3A_72 : vector<1x16xf32> to vector<16xf32>
      %swap3A_74 = vector.shape_cast %broadcast_in_dim3A_69 : vector<16xf32> to vector<1x16xf32>
      tpu.vector_store %arg8[%swap3A_70, %swap3A_71], %swap3A_74 {strides = array<i32>} : memref<80x128xf32, #tpu.memory_space<vmem>>, vector<1x16xf32>,
    }
    %scan3A_3 = arith.constant 80 : i32
    %scan3A_4 = arith.constant 0 : i32
    %scan3A_5 = arith.constant 8 : i32
    %scan3A_6 = arith.addi %scan3A_4, %scan3A_5 : i32
    %scan3A_7 = arith.constant 1 : i32
    scf.for %scan3A_20 = %scan3A_4 to %scan3A_6 step %scan3A_7  : i32 {
      %mul3A = arith.constant 16 : i32
      %mul3A_21 = arith.muli %scan3A_20, %mul3A : i32
      %add3A = arith.addi %arg1, %mul3A_21 : i32
      %lt3A = arith.constant 125 : i32
      %lt3A_22 = arith.cmpi slt, %add3A, %lt3A : i32
      %convert_element_type3A = arith.extui %lt3A_22 : i1 to i32
      %cond3A = arith.constant 0 : i32
      %cond3A_23 = arith.cmpi ne, %convert_element_type3A, %cond3A : i32
      scf.if %cond3A_23 {
        %mul3A_24 = arith.constant 80 : i32
        %mul3A_25 = arith.muli %add3A, %mul3A_24 : i32
        "tpu.region"() ({
          %run_scoped3A = tpu.sem_alloc : memref<!tpu.dma_semaphore, #tpu.memory_space<semaphore_mem>>
          %dma_start3A = arith.constant 0 : i32
          %dma_start3A_26 = tpu.memref_slice %arg7[%mul3A_25, %dma_start3A] : memref<10000x128xf32, #tpu.memory_space<vmem_shared>> -> memref<80x128xf32, #tpu.memory_space<vmem_shared>>
          %dma_start3A_27 = arith.constant 0 : i32
          %dma_start3A_28 = tpu.memref_slice %arg7[%mul3A_25, %dma_start3A_27] : memref<10000x128xf32, #tpu.memory_space<vmem_shared>> -> memref<80x128xf32, #tpu.memory_space<vmem_shared>>
          tpu.enqueue_dma source(%arg8 : memref<80x128xf32, #tpu.memory_space<vmem>>) target(%dma_start3A_28 : memref<80x128xf32, #tpu.memory_space<vmem_shared>>) target_semaphore(%run_scoped3A : memref<!tpu.dma_semaphore, #tpu.memory_space<semaphore_mem>>)
          %dma_wait3A = arith.constant 0 : i32
          %dma_wait3A_29 = tpu.memref_slice %arg7[%mul3A_25, %dma_wait3A] : memref<10000x128xf32, #tpu.memory_space<vmem_shared>> -> memref<80x128xf32, #tpu.memory_space<vmem_shared>>
          %dma_wait3A_30 = arith.constant 0 : i32
          %dma_wait3A_31 = tpu.memref_slice %arg7[%mul3A_25, %dma_wait3A_30] : memref<10000x128xf32, #tpu.memory_space<vmem_shared>> -> memref<80x128xf32, #tpu.memory_space<vmem_shared>>
          tpu.wait_dma2 semaphore(%run_scoped3A : memref<!tpu.dma_semaphore, #tpu.memory_space<semaphore_mem>>) src(%arg8 : memref<80x128xf32, #tpu.memory_space<vmem>>) dst(%dma_wait3A_31 : memref<80x128xf32, #tpu.memory_space<vmem_shared>>)
          tpu.yield
        }) : () -> ()
      } else {
      }
    }
    %scan3A_8 = arith.constant 8 : i32
    %barrier3A = arith.constant 0 : index
    tpu.barrier barrier_id(%barrier3A)
    %scan3A_9 = arith.constant 0 : i32
    %scan3A_10 = arith.constant 125 : i32
    %scan3A_11 = arith.addi %scan3A_9, %scan3A_10 : i32
    %scan3A_12 = arith.constant 1 : i32
    scf.for %scan3A_20 = %scan3A_9 to %scan3A_11 step %scan3A_12  : i32 {
      %mul3A = arith.constant 10000 : i32
      %mul3A_21 = arith.muli %arg1, %mul3A : i32
      %mul3A_22 = arith.constant 80 : i32
      %mul3A_23 = arith.muli %scan3A_20, %mul3A_22 : i32
      %add3A = arith.addi %mul3A_21, %mul3A_23 : i32
      "tpu.region"() ({
        %run_scoped3A = tpu.sem_alloc : memref<!tpu.dma_semaphore, #tpu.memory_space<semaphore_mem>>
        %dma_start3A_167 = tpu.memref_slice %arg4[%add3A] : memref<160000xi32, #tpu.memory_space<hbm>> -> memref<80xi32, #tpu.memory_space<hbm>>
        %dma_start3A_168 = tpu.memref_slice %arg4[%add3A] : memref<160000xi32, #tpu.memory_space<hbm>> -> memref<80xi32, #tpu.memory_space<hbm>>
        tpu.enqueue_dma source(%dma_start3A_168 : memref<80xi32, #tpu.memory_space<hbm>>) target(%arg9 : memref<80xi32, #tpu.memory_space<vmem>>) target_semaphore(%run_scoped3A : memref<!tpu.dma_semaphore, #tpu.memory_space<semaphore_mem>>)
        %dma_wait3A_169 = tpu.memref_slice %arg4[%add3A] : memref<160000xi32, #tpu.memory_space<hbm>> -> memref<80xi32, #tpu.memory_space<hbm>>
        %dma_wait3A_170 = tpu.memref_slice %arg4[%add3A] : memref<160000xi32, #tpu.memory_space<hbm>> -> memref<80xi32, #tpu.memory_space<hbm>>
        tpu.wait_dma2 semaphore(%run_scoped3A : memref<!tpu.dma_semaphore, #tpu.memory_space<semaphore_mem>>) src(%dma_wait3A_170 : memref<80xi32, #tpu.memory_space<hbm>>) dst(%arg9 : memref<80xi32, #tpu.memory_space<vmem>>)
        tpu.yield
      }) : () -> ()
      "tpu.region"() ({
        %run_scoped3A = tpu.sem_alloc : memref<!tpu.dma_semaphore, #tpu.memory_space<semaphore_mem>>
        %dma_start3A_167 = tpu.memref_slice %arg5[%add3A] : memref<160000xi32, #tpu.memory_space<hbm>> -> memref<80xi32, #tpu.memory_space<hbm>>
        %dma_start3A_168 = tpu.memref_slice %arg5[%add3A] : memref<160000xi32, #tpu.memory_space<hbm>> -> memref<80xi32, #tpu.memory_space<hbm>>
        tpu.enqueue_dma source(%dma_start3A_168 : memref<80xi32, #tpu.memory_space<hbm>>) target(%arg10 : memref<80xi32, #tpu.memory_space<vmem>>) target_semaphore(%run_scoped3A : memref<!tpu.dma_semaphore, #tpu.memory_space<semaphore_mem>>)
        %dma_wait3A_169 = tpu.memref_slice %arg5[%add3A] : memref<160000xi32, #tpu.memory_space<hbm>> -> memref<80xi32, #tpu.memory_space<hbm>>
        %dma_wait3A_170 = tpu.memref_slice %arg5[%add3A] : memref<160000xi32, #tpu.memory_space<hbm>> -> memref<80xi32, #tpu.memory_space<hbm>>
        tpu.wait_dma2 semaphore(%run_scoped3A : memref<!tpu.dma_semaphore, #tpu.memory_space<semaphore_mem>>) src(%dma_wait3A_170 : memref<80xi32, #tpu.memory_space<hbm>>) dst(%arg10 : memref<80xi32, #tpu.memory_space<vmem>>)
        tpu.yield
      }) : () -> ()
      %iota3A = tpu.iota {dimensions = array<i32: 0>} : vector<16xi32>
      %get3A = arith.constant 0 : index
      %get3A_24 = tpu.vector_load %arg9[%get3A] {strides = array<i32>} : memref<80xi32, #tpu.memory_space<vmem>>, vector<16xi32>,
      %get3A_25 = vector.shape_cast %get3A_24 : vector<16xi32> to vector<16xi32>
      %mul3A_26 = arith.constant 2 : i32
      %mul3A_27 = vector.broadcast %mul3A_26 : i32 to vector<16xi32>
      %mul3A_28 = arith.muli %get3A_25, %mul3A_27 : vector<16xi32>
      %add3A_29 = vector.broadcast %arg0 : i32 to vector<16xi32>
      %add3A_30 = arith.addi %mul3A_28, %add3A_29 : vector<16xi32>
      %swap3A = arith.constant 0 : index
      %swap3A_31 = tpu.vector_load %arg9[%swap3A] {strides = array<i32>} : memref<80xi32, #tpu.memory_space<vmem>>, vector<16xi32>,
      %swap3A_32 = vector.shape_cast %swap3A_31 : vector<16xi32> to vector<16xi32>
      %swap3A_33 = vector.shape_cast %add3A_30 : vector<16xi32> to vector<16xi32>
      tpu.vector_store %arg9[%swap3A], %swap3A_33 {strides = array<i32>} : memref<80xi32, #tpu.memory_space<vmem>>, vector<16xi32>,
      %mul3A_34 = arith.constant 2 : i32
      %mul3A_35 = vector.broadcast %mul3A_34 : i32 to vector<16xi32>
      %mul3A_36 = arith.muli %iota3A, %mul3A_35 : vector<16xi32>
      %add3A_37 = arith.constant 0 : i32
      %add3A_38 = arith.addi %add3A, %add3A_37 : i32
      %mul3A_39 = arith.constant 2 : i32
      %mul3A_40 = arith.muli %mul3A_39, %add3A_38 : i32
      %add3A_41 = arith.addi %mul3A_40, %arg0 : i32
      %add3A_42 = vector.broadcast %add3A_41 : i32 to vector<16xi32>
      %add3A_43 = arith.addi %mul3A_36, %add3A_42 : vector<16xi32>
      %swap3A_44 = arith.constant 0 : index
      %swap3A_45 = tpu.vector_load %arg11[%swap3A_44] {strides = array<i32>} : memref<80xi32, #tpu.memory_space<vmem>>, vector<16xi32>,
      %swap3A_46 = vector.shape_cast %swap3A_45 : vector<16xi32> to vector<16xi32>
      %swap3A_47 = vector.shape_cast %add3A_43 : vector<16xi32> to vector<16xi32>
      tpu.vector_store %arg11[%swap3A_44], %swap3A_47 {strides = array<i32>} : memref<80xi32, #tpu.memory_space<vmem>>, vector<16xi32>,
      %get3A_48 = arith.constant 16 : index
      %get3A_49 = tpu.vector_load %arg9[%get3A_48] {strides = array<i32>} : memref<80xi32, #tpu.memory_space<vmem>>, vector<16xi32>,
      %get3A_50 = vector.shape_cast %get3A_49 : vector<16xi32> to vector<16xi32>
      %mul3A_51 = arith.constant 2 : i32
      %mul3A_52 = vector.broadcast %mul3A_51 : i32 to vector<16xi32>
      %mul3A_53 = arith.muli %get3A_50, %mul3A_52 : vector<16xi32>
      %add3A_54 = vector.broadcast %arg0 : i32 to vector<16xi32>
      %add3A_55 = arith.addi %mul3A_53, %add3A_54 : vector<16xi32>
      %swap3A_56 = arith.constant 16 : index
      %swap3A_57 = tpu.vector_load %arg9[%swap3A_56] {strides = array<i32>} : memref<80xi32, #tpu.memory_space<vmem>>, vector<16xi32>,
      %swap3A_58 = vector.shape_cast %swap3A_57 : vector<16xi32> to vector<16xi32>
      %swap3A_59 = vector.shape_cast %add3A_55 : vector<16xi32> to vector<16xi32>
      tpu.vector_store %arg9[%swap3A_56], %swap3A_59 {strides = array<i32>} : memref<80xi32, #tpu.memory_space<vmem>>, vector<16xi32>,
      %mul3A_60 = arith.constant 2 : i32
      %mul3A_61 = vector.broadcast %mul3A_60 : i32 to vector<16xi32>
      %mul3A_62 = arith.muli %iota3A, %mul3A_61 : vector<16xi32>
      %add3A_63 = arith.constant 16 : i32
      %add3A_64 = arith.addi %add3A, %add3A_63 : i32
      %mul3A_65 = arith.constant 2 : i32
      %mul3A_66 = arith.muli %mul3A_65, %add3A_64 : i32
      %add3A_67 = arith.addi %mul3A_66, %arg0 : i32
      %add3A_68 = vector.broadcast %add3A_67 : i32 to vector<16xi32>
      %add3A_69 = arith.addi %mul3A_62, %add3A_68 : vector<16xi32>
      %swap3A_70 = arith.constant 16 : index
      %swap3A_71 = tpu.vector_load %arg11[%swap3A_70] {strides = array<i32>} : memref<80xi32, #tpu.memory_space<vmem>>, vector<16xi32>,
      %swap3A_72 = vector.shape_cast %swap3A_71 : vector<16xi32> to vector<16xi32>
      %swap3A_73 = vector.shape_cast %add3A_69 : vector<16xi32> to vector<16xi32>
      tpu.vector_store %arg11[%swap3A_70], %swap3A_73 {strides = array<i32>} : memref<80xi32, #tpu.memory_space<vmem>>, vector<16xi32>,
      %get3A_74 = arith.constant 32 : index
      %get3A_75 = tpu.vector_load %arg9[%get3A_74] {strides = array<i32>} : memref<80xi32, #tpu.memory_space<vmem>>, vector<16xi32>,
      %get3A_76 = vector.shape_cast %get3A_75 : vector<16xi32> to vector<16xi32>
      %mul3A_77 = arith.constant 2 : i32
      %mul3A_78 = vector.broadcast %mul3A_77 : i32 to vector<16xi32>
      %mul3A_79 = arith.muli %get3A_76, %mul3A_78 : vector<16xi32>
      %add3A_80 = vector.broadcast %arg0 : i32 to vector<16xi32>
      %add3A_81 = arith.addi %mul3A_79, %add3A_80 : vector<16xi32>
      %swap3A_82 = arith.constant 32 : index
      %swap3A_83 = tpu.vector_load %arg9[%swap3A_82] {strides = array<i32>} : memref<80xi32, #tpu.memory_space<vmem>>, vector<16xi32>,
      %swap3A_84 = vector.shape_cast %swap3A_83 : vector<16xi32> to vector<16xi32>
      %swap3A_85 = vector.shape_cast %add3A_81 : vector<16xi32> to vector<16xi32>
      tpu.vector_store %arg9[%swap3A_82], %swap3A_85 {strides = array<i32>} : memref<80xi32, #tpu.memory_space<vmem>>, vector<16xi32>,
      %mul3A_86 = arith.constant 2 : i32
      %mul3A_87 = vector.broadcast %mul3A_86 : i32 to vector<16xi32>
      %mul3A_88 = arith.muli %iota3A, %mul3A_87 : vector<16xi32>
      %add3A_89 = arith.constant 32 : i32
      %add3A_90 = arith.addi %add3A, %add3A_89 : i32
      %mul3A_91 = arith.constant 2 : i32
      %mul3A_92 = arith.muli %mul3A_91, %add3A_90 : i32
      %add3A_93 = arith.addi %mul3A_92, %arg0 : i32
      %add3A_94 = vector.broadcast %add3A_93 : i32 to vector<16xi32>
      %add3A_95 = arith.addi %mul3A_88, %add3A_94 : vector<16xi32>
      %swap3A_96 = arith.constant 32 : index
      %swap3A_97 = tpu.vector_load %arg11[%swap3A_96] {strides = array<i32>} : memref<80xi32, #tpu.memory_space<vmem>>, vector<16xi32>,
      %swap3A_98 = vector.shape_cast %swap3A_97 : vector<16xi32> to vector<16xi32>
      %swap3A_99 = vector.shape_cast %add3A_95 : vector<16xi32> to vector<16xi32>
      tpu.vector_store %arg11[%swap3A_96], %swap3A_99 {strides = array<i32>} : memref<80xi32, #tpu.memory_space<vmem>>, vector<16xi32>,
      %get3A_100 = arith.constant 48 : index
      %get3A_101 = tpu.vector_load %arg9[%get3A_100] {strides = array<i32>} : memref<80xi32, #tpu.memory_space<vmem>>, vector<16xi32>,
      %get3A_102 = vector.shape_cast %get3A_101 : vector<16xi32> to vector<16xi32>
      %mul3A_103 = arith.constant 2 : i32
      %mul3A_104 = vector.broadcast %mul3A_103 : i32 to vector<16xi32>
      %mul3A_105 = arith.muli %get3A_102, %mul3A_104 : vector<16xi32>
      %add3A_106 = vector.broadcast %arg0 : i32 to vector<16xi32>
      %add3A_107 = arith.addi %mul3A_105, %add3A_106 : vector<16xi32>
      %swap3A_108 = arith.constant 48 : index
      %swap3A_109 = tpu.vector_load %arg9[%swap3A_108] {strides = array<i32>} : memref<80xi32, #tpu.memory_space<vmem>>, vector<16xi32>,
      %swap3A_110 = vector.shape_cast %swap3A_109 : vector<16xi32> to vector<16xi32>
      %swap3A_111 = vector.shape_cast %add3A_107 : vector<16xi32> to vector<16xi32>
      tpu.vector_store %arg9[%swap3A_108], %swap3A_111 {strides = array<i32>} : memref<80xi32, #tpu.memory_space<vmem>>, vector<16xi32>,
      %mul3A_112 = arith.constant 2 : i32
      %mul3A_113 = vector.broadcast %mul3A_112 : i32 to vector<16xi32>
      %mul3A_114 = arith.muli %iota3A, %mul3A_113 : vector<16xi32>
      %add3A_115 = arith.constant 48 : i32
      %add3A_116 = arith.addi %add3A, %add3A_115 : i32
      %mul3A_117 = arith.constant 2 : i32
      %mul3A_118 = arith.muli %mul3A_117, %add3A_116 : i32
      %add3A_119 = arith.addi %mul3A_118, %arg0 : i32
      %add3A_120 = vector.broadcast %add3A_119 : i32 to vector<16xi32>
      %add3A_121 = arith.addi %mul3A_114, %add3A_120 : vector<16xi32>
      %swap3A_122 = arith.constant 48 : index
      %swap3A_123 = tpu.vector_load %arg11[%swap3A_122] {strides = array<i32>} : memref<80xi32, #tpu.memory_space<vmem>>, vector<16xi32>,
      %swap3A_124 = vector.shape_cast %swap3A_123 : vector<16xi32> to vector<16xi32>
      %swap3A_125 = vector.shape_cast %add3A_121 : vector<16xi32> to vector<16xi32>
      tpu.vector_store %arg11[%swap3A_122], %swap3A_125 {strides = array<i32>} : memref<80xi32, #tpu.memory_space<vmem>>, vector<16xi32>,
      %get3A_126 = arith.constant 64 : index
      %get3A_127 = tpu.vector_load %arg9[%get3A_126] {strides = array<i32>} : memref<80xi32, #tpu.memory_space<vmem>>, vector<16xi32>,
      %get3A_128 = vector.shape_cast %get3A_127 : vector<16xi32> to vector<16xi32>
      %mul3A_129 = arith.constant 2 : i32
      %mul3A_130 = vector.broadcast %mul3A_129 : i32 to vector<16xi32>
      %mul3A_131 = arith.muli %get3A_128, %mul3A_130 : vector<16xi32>
      %add3A_132 = vector.broadcast %arg0 : i32 to vector<16xi32>
      %add3A_133 = arith.addi %mul3A_131, %add3A_132 : vector<16xi32>
      %swap3A_134 = arith.constant 64 : index
      %swap3A_135 = tpu.vector_load %arg9[%swap3A_134] {strides = array<i32>} : memref<80xi32, #tpu.memory_space<vmem>>, vector<16xi32>,
      %swap3A_136 = vector.shape_cast %swap3A_135 : vector<16xi32> to vector<16xi32>
      %swap3A_137 = vector.shape_cast %add3A_133 : vector<16xi32> to vector<16xi32>
      tpu.vector_store %arg9[%swap3A_134], %swap3A_137 {strides = array<i32>} : memref<80xi32, #tpu.memory_space<vmem>>, vector<16xi32>,
      %mul3A_138 = arith.constant 2 : i32
      %mul3A_139 = vector.broadcast %mul3A_138 : i32 to vector<16xi32>
      %mul3A_140 = arith.muli %iota3A, %mul3A_139 : vector<16xi32>
      %add3A_141 = arith.constant 64 : i32
      %add3A_142 = arith.addi %add3A, %add3A_141 : i32
      %mul3A_143 = arith.constant 2 : i32
      %mul3A_144 = arith.muli %mul3A_143, %add3A_142 : i32
      %add3A_145 = arith.addi %mul3A_144, %arg0 : i32
      %add3A_146 = vector.broadcast %add3A_145 : i32 to vector<16xi32>
      %add3A_147 = arith.addi %mul3A_140, %add3A_146 : vector<16xi32>
      %swap3A_148 = arith.constant 64 : index
      %swap3A_149 = tpu.vector_load %arg11[%swap3A_148] {strides = array<i32>} : memref<80xi32, #tpu.memory_space<vmem>>, vector<16xi32>,
      %swap3A_150 = vector.shape_cast %swap3A_149 : vector<16xi32> to vector<16xi32>
      %swap3A_151 = vector.shape_cast %add3A_147 : vector<16xi32> to vector<16xi32>
      tpu.vector_store %arg11[%swap3A_148], %swap3A_151 {strides = array<i32>} : memref<80xi32, #tpu.memory_space<vmem>>, vector<16xi32>,
      %dma_start3A = arith.constant 0 : i32
      %dma_start3A_152 = arith.constant 0 : i32
      %dma_start3A_153 = tpu.memref_slice %arg2[%dma_start3A, %dma_start3A_152] : memref<20000x128xf32, #tpu.memory_space<hbm>> -> memref<20000x128xf32, #tpu.memory_space<hbm>>
      tpu.enqueue_indirect_dma source(%dma_start3A_153 : memref<20000x128xf32, #tpu.memory_space<hbm>>) target(%arg12 : memref<80x128xf32, #tpu.memory_space<vmem>>) offsets(%arg9 : memref<80xi32, #tpu.memory_space<vmem>>) semaphore(%arg14 : memref<!tpu.dma_semaphore, #tpu.memory_space<semaphore_mem>>)
      %dma_start3A_154 = arith.constant 0 : i32
      %dma_start3A_155 = arith.constant 0 : i32
      %dma_start3A_156 = tpu.memref_slice %arg3[%dma_start3A_154, %dma_start3A_155] : memref<320000x128xf32, #tpu.memory_space<hbm>> -> memref<320000x128xf32, #tpu.memory_space<hbm>>
      tpu.enqueue_indirect_dma source(%dma_start3A_156 : memref<320000x128xf32, #tpu.memory_space<hbm>>) target(%arg13 : memref<80x128xf32, #tpu.memory_space<vmem>>) offsets(%arg11 : memref<80xi32, #tpu.memory_space<vmem>>) semaphore(%arg15 : memref<!tpu.dma_semaphore, #tpu.memory_space<semaphore_mem>>)
      %dma_wait3A = arith.constant 0 : i32
      %dma_wait3A_157 = arith.constant 0 : i32
      %dma_wait3A_158 = tpu.memref_slice %arg2[%dma_wait3A, %dma_wait3A_157] : memref<20000x128xf32, #tpu.memory_space<hbm>> -> memref<20000x128xf32, #tpu.memory_space<hbm>>
      tpu.wait_indirect_dma semaphore(%arg14 : memref<!tpu.dma_semaphore, #tpu.memory_space<semaphore_mem>>) src(%dma_wait3A_158 : memref<20000x128xf32, #tpu.memory_space<hbm>>) dst(%arg12 : memref<80x128xf32, #tpu.memory_space<vmem>>)
      %dma_wait3A_159 = arith.constant 0 : i32
      %dma_wait3A_160 = arith.constant 0 : i32
      %dma_wait3A_161 = tpu.memref_slice %arg3[%dma_wait3A_159, %dma_wait3A_160] : memref<320000x128xf32, #tpu.memory_space<hbm>> -> memref<320000x128xf32, #tpu.memory_space<hbm>>
      tpu.wait_indirect_dma semaphore(%arg15 : memref<!tpu.dma_semaphore, #tpu.memory_space<semaphore_mem>>) src(%dma_wait3A_161 : memref<320000x128xf32, #tpu.memory_space<hbm>>) dst(%arg13 : memref<80x128xf32, #tpu.memory_space<vmem>>)
      %scan3A_162 = arith.constant 0 : i32
      %scan3A_163 = arith.constant 80 : i32
      %scan3A_164 = arith.addi %scan3A_162, %scan3A_163 : i32
      %scan3A_165 = arith.constant 1 : i32
      scf.for %scan3A_167 = %scan3A_162 to %scan3A_164 step %scan3A_165  : i32 {
        %get3A_168 = arith.index_cast %scan3A_167 : i32 to index
        %get3A_169 = arith.constant 0 : index
        %get3A_170 = tpu.vector_load %arg12[%get3A_168, %get3A_169] {strides = array<i32>} : memref<80x128xf32, #tpu.memory_space<vmem>>, vector<1x16xf32>,
        %get3A_171 = vector.shape_cast %get3A_170 : vector<1x16xf32> to vector<16xf32>
        %get3A_172 = arith.index_cast %scan3A_167 : i32 to index
        %get3A_173 = arith.constant 0 : index
        %get3A_174 = tpu.vector_load %arg13[%get3A_172, %get3A_173] {strides = array<i32>} : memref<80x128xf32, #tpu.memory_space<vmem>>, vector<1x16xf32>,
        %get3A_175 = vector.shape_cast %get3A_174 : vector<1x16xf32> to vector<16xf32>
        %add3A_176 = arith.addf %get3A_171, %get3A_175 : vector<16xf32>
        %swap3A_177 = arith.index_cast %scan3A_167 : i32 to index
        %swap3A_178 = arith.constant 0 : index
        %swap3A_179 = tpu.vector_load %arg12[%swap3A_177, %swap3A_178] {strides = array<i32>} : memref<80x128xf32, #tpu.memory_space<vmem>>, vector<1x16xf32>,
        %swap3A_180 = vector.shape_cast %swap3A_179 : vector<1x16xf32> to vector<16xf32>
        %swap3A_181 = vector.shape_cast %add3A_176 : vector<16xf32> to vector<1x16xf32>
        tpu.vector_store %arg12[%swap3A_177, %swap3A_178], %swap3A_181 {strides = array<i32>} : memref<80x128xf32, #tpu.memory_space<vmem>>, vector<1x16xf32>,
        %get3A_182 = arith.index_cast %scan3A_167 : i32 to index
        %get3A_183 = arith.constant 16 : index
        %get3A_184 = tpu.vector_load %arg12[%get3A_182, %get3A_183] {strides = array<i32>} : memref<80x128xf32, #tpu.memory_space<vmem>>, vector<1x16xf32>,
        %get3A_185 = vector.shape_cast %get3A_184 : vector<1x16xf32> to vector<16xf32>
        %get3A_186 = arith.index_cast %scan3A_167 : i32 to index
        %get3A_187 = arith.constant 16 : index
        %get3A_188 = tpu.vector_load %arg13[%get3A_186, %get3A_187] {strides = array<i32>} : memref<80x128xf32, #tpu.memory_space<vmem>>, vector<1x16xf32>,
        %get3A_189 = vector.shape_cast %get3A_188 : vector<1x16xf32> to vector<16xf32>
        %add3A_190 = arith.addf %get3A_185, %get3A_189 : vector<16xf32>
        %swap3A_191 = arith.index_cast %scan3A_167 : i32 to index
        %swap3A_192 = arith.constant 16 : index
        %swap3A_193 = tpu.vector_load %arg12[%swap3A_191, %swap3A_192] {strides = array<i32>} : memref<80x128xf32, #tpu.memory_space<vmem>>, vector<1x16xf32>,
        %swap3A_194 = vector.shape_cast %swap3A_193 : vector<1x16xf32> to vector<16xf32>
        %swap3A_195 = vector.shape_cast %add3A_190 : vector<16xf32> to vector<1x16xf32>
        tpu.vector_store %arg12[%swap3A_191, %swap3A_192], %swap3A_195 {strides = array<i32>} : memref<80x128xf32, #tpu.memory_space<vmem>>, vector<1x16xf32>,
        %get3A_196 = arith.index_cast %scan3A_167 : i32 to index
        %get3A_197 = arith.constant 32 : index
        %get3A_198 = tpu.vector_load %arg12[%get3A_196, %get3A_197] {strides = array<i32>} : memref<80x128xf32, #tpu.memory_space<vmem>>, vector<1x16xf32>,
        %get3A_199 = vector.shape_cast %get3A_198 : vector<1x16xf32> to vector<16xf32>
        %get3A_200 = arith.index_cast %scan3A_167 : i32 to index
        %get3A_201 = arith.constant 32 : index
        %get3A_202 = tpu.vector_load %arg13[%get3A_200, %get3A_201] {strides = array<i32>} : memref<80x128xf32, #tpu.memory_space<vmem>>, vector<1x16xf32>,
        %get3A_203 = vector.shape_cast %get3A_202 : vector<1x16xf32> to vector<16xf32>
        %add3A_204 = arith.addf %get3A_199, %get3A_203 : vector<16xf32>
        %swap3A_205 = arith.index_cast %scan3A_167 : i32 to index
        %swap3A_206 = arith.constant 32 : index
        %swap3A_207 = tpu.vector_load %arg12[%swap3A_205, %swap3A_206] {strides = array<i32>} : memref<80x128xf32, #tpu.memory_space<vmem>>, vector<1x16xf32>,
        %swap3A_208 = vector.shape_cast %swap3A_207 : vector<1x16xf32> to vector<16xf32>
        %swap3A_209 = vector.shape_cast %add3A_204 : vector<16xf32> to vector<1x16xf32>
        tpu.vector_store %arg12[%swap3A_205, %swap3A_206], %swap3A_209 {strides = array<i32>} : memref<80x128xf32, #tpu.memory_space<vmem>>, vector<1x16xf32>,
        %get3A_210 = arith.index_cast %scan3A_167 : i32 to index
        %get3A_211 = arith.constant 48 : index
        %get3A_212 = tpu.vector_load %arg12[%get3A_210, %get3A_211] {strides = array<i32>} : memref<80x128xf32, #tpu.memory_space<vmem>>, vector<1x16xf32>,
        %get3A_213 = vector.shape_cast %get3A_212 : vector<1x16xf32> to vector<16xf32>
        %get3A_214 = arith.index_cast %scan3A_167 : i32 to index
        %get3A_215 = arith.constant 48 : index
        %get3A_216 = tpu.vector_load %arg13[%get3A_214, %get3A_215] {strides = array<i32>} : memref<80x128xf32, #tpu.memory_space<vmem>>, vector<1x16xf32>,
        %get3A_217 = vector.shape_cast %get3A_216 : vector<1x16xf32> to vector<16xf32>
        %add3A_218 = arith.addf %get3A_213, %get3A_217 : vector<16xf32>
        %swap3A_219 = arith.index_cast %scan3A_167 : i32 to index
        %swap3A_220 = arith.constant 48 : index
        %swap3A_221 = tpu.vector_load %arg12[%swap3A_219, %swap3A_220] {strides = array<i32>} : memref<80x128xf32, #tpu.memory_space<vmem>>, vector<1x16xf32>,
        %swap3A_222 = vector.shape_cast %swap3A_221 : vector<1x16xf32> to vector<16xf32>
        %swap3A_223 = vector.shape_cast %add3A_218 : vector<16xf32> to vector<1x16xf32>
        tpu.vector_store %arg12[%swap3A_219, %swap3A_220], %swap3A_223 {strides = array<i32>} : memref<80x128xf32, #tpu.memory_space<vmem>>, vector<1x16xf32>,
        %get3A_224 = arith.index_cast %scan3A_167 : i32 to index
        %get3A_225 = arith.constant 64 : index
        %get3A_226 = tpu.vector_load %arg12[%get3A_224, %get3A_225] {strides = array<i32>} : memref<80x128xf32, #tpu.memory_space<vmem>>, vector<1x16xf32>,
        %get3A_227 = vector.shape_cast %get3A_226 : vector<1x16xf32> to vector<16xf32>
        %get3A_228 = arith.index_cast %scan3A_167 : i32 to index
        %get3A_229 = arith.constant 64 : index
        %get3A_230 = tpu.vector_load %arg13[%get3A_228, %get3A_229] {strides = array<i32>} : memref<80x128xf32, #tpu.memory_space<vmem>>, vector<1x16xf32>,
        %get3A_231 = vector.shape_cast %get3A_230 : vector<1x16xf32> to vector<16xf32>
        %add3A_232 = arith.addf %get3A_227, %get3A_231 : vector<16xf32>
        %swap3A_233 = arith.index_cast %scan3A_167 : i32 to index
        %swap3A_234 = arith.constant 64 : index
        %swap3A_235 = tpu.vector_load %arg12[%swap3A_233, %swap3A_234] {strides = array<i32>} : memref<80x128xf32, #tpu.memory_space<vmem>>, vector<1x16xf32>,
        %swap3A_236 = vector.shape_cast %swap3A_235 : vector<1x16xf32> to vector<16xf32>
        %swap3A_237 = vector.shape_cast %add3A_232 : vector<16xf32> to vector<1x16xf32>
        tpu.vector_store %arg12[%swap3A_233, %swap3A_234], %swap3A_237 {strides = array<i32>} : memref<80x128xf32, #tpu.memory_space<vmem>>, vector<1x16xf32>,
        %get3A_238 = arith.index_cast %scan3A_167 : i32 to index
        %get3A_239 = arith.constant 80 : index
        %get3A_240 = tpu.vector_load %arg12[%get3A_238, %get3A_239] {strides = array<i32>} : memref<80x128xf32, #tpu.memory_space<vmem>>, vector<1x16xf32>,
        %get3A_241 = vector.shape_cast %get3A_240 : vector<1x16xf32> to vector<16xf32>
        %get3A_242 = arith.index_cast %scan3A_167 : i32 to index
        %get3A_243 = arith.constant 80 : index
        %get3A_244 = tpu.vector_load %arg13[%get3A_242, %get3A_243] {strides = array<i32>} : memref<80x128xf32, #tpu.memory_space<vmem>>, vector<1x16xf32>,
        %get3A_245 = vector.shape_cast %get3A_244 : vector<1x16xf32> to vector<16xf32>
        %add3A_246 = arith.addf %get3A_241, %get3A_245 : vector<16xf32>
        %swap3A_247 = arith.index_cast %scan3A_167 : i32 to index
        %swap3A_248 = arith.constant 80 : index
        %swap3A_249 = tpu.vector_load %arg12[%swap3A_247, %swap3A_248] {strides = array<i32>} : memref<80x128xf32, #tpu.memory_space<vmem>>, vector<1x16xf32>,
        %swap3A_250 = vector.shape_cast %swap3A_249 : vector<1x16xf32> to vector<16xf32>
        %swap3A_251 = vector.shape_cast %add3A_246 : vector<16xf32> to vector<1x16xf32>
        tpu.vector_store %arg12[%swap3A_247, %swap3A_248], %swap3A_251 {strides = array<i32>} : memref<80x128xf32, #tpu.memory_space<vmem>>, vector<1x16xf32>,
        %get3A_252 = arith.index_cast %scan3A_167 : i32 to index
        %get3A_253 = arith.constant 96 : index
        %get3A_254 = tpu.vector_load %arg12[%get3A_252, %get3A_253] {strides = array<i32>} : memref<80x128xf32, #tpu.memory_space<vmem>>, vector<1x16xf32>,
        %get3A_255 = vector.shape_cast %get3A_254 : vector<1x16xf32> to vector<16xf32>
        %get3A_256 = arith.index_cast %scan3A_167 : i32 to index
        %get3A_257 = arith.constant 96 : index
        %get3A_258 = tpu.vector_load %arg13[%get3A_256, %get3A_257] {strides = array<i32>} : memref<80x128xf32, #tpu.memory_space<vmem>>, vector<1x16xf32>,
        %get3A_259 = vector.shape_cast %get3A_258 : vector<1x16xf32> to vector<16xf32>
        %add3A_260 = arith.addf %get3A_255, %get3A_259 : vector<16xf32>
        %swap3A_261 = arith.index_cast %scan3A_167 : i32 to index
        %swap3A_262 = arith.constant 96 : index
        %swap3A_263 = tpu.vector_load %arg12[%swap3A_261, %swap3A_262] {strides = array<i32>} : memref<80x128xf32, #tpu.memory_space<vmem>>, vector<1x16xf32>,
        %swap3A_264 = vector.shape_cast %swap3A_263 : vector<1x16xf32> to vector<16xf32>
        %swap3A_265 = vector.shape_cast %add3A_260 : vector<16xf32> to vector<1x16xf32>
        tpu.vector_store %arg12[%swap3A_261, %swap3A_262], %swap3A_265 {strides = array<i32>} : memref<80x128xf32, #tpu.memory_space<vmem>>, vector<1x16xf32>,
        %get3A_266 = arith.index_cast %scan3A_167 : i32 to index
        %get3A_267 = arith.constant 112 : index
        %get3A_268 = tpu.vector_load %arg12[%get3A_266, %get3A_267] {strides = array<i32>} : memref<80x128xf32, #tpu.memory_space<vmem>>, vector<1x16xf32>,
        %get3A_269 = vector.shape_cast %get3A_268 : vector<1x16xf32> to vector<16xf32>
        %get3A_270 = arith.index_cast %scan3A_167 : i32 to index
        %get3A_271 = arith.constant 112 : index
        %get3A_272 = tpu.vector_load %arg13[%get3A_270, %get3A_271] {strides = array<i32>} : memref<80x128xf32, #tpu.memory_space<vmem>>, vector<1x16xf32>,
        %get3A_273 = vector.shape_cast %get3A_272 : vector<1x16xf32> to vector<16xf32>
        %add3A_274 = arith.addf %get3A_269, %get3A_273 : vector<16xf32>
        %swap3A_275 = arith.index_cast %scan3A_167 : i32 to index
        %swap3A_276 = arith.constant 112 : index
        %swap3A_277 = tpu.vector_load %arg12[%swap3A_275, %swap3A_276] {strides = array<i32>} : memref<80x128xf32, #tpu.memory_space<vmem>>, vector<1x16xf32>,
        %swap3A_278 = vector.shape_cast %swap3A_277 : vector<1x16xf32> to vector<16xf32>
        %swap3A_279 = vector.shape_cast %add3A_274 : vector<16xf32> to vector<1x16xf32>
        tpu.vector_store %arg12[%swap3A_275, %swap3A_276], %swap3A_279 {strides = array<i32>} : memref<80x128xf32, #tpu.memory_space<vmem>>, vector<1x16xf32>,
      }
      %scan3A_166 = arith.constant 80 : i32
      "tpu.region"() ({
        %run_scoped3A = tpu.sem_alloc : memref<!tpu.dma_semaphore, #tpu.memory_space<semaphore_mem>>
        %dma_start3A_167 = arith.constant 0 : i32
        %dma_start3A_168 = arith.constant 0 : i32
        %dma_start3A_169 = tpu.memref_slice %arg7[%dma_start3A_167, %dma_start3A_168] : memref<10000x128xf32, #tpu.memory_space<vmem_shared>> -> memref<10000x128xf32, #tpu.memory_space<vmem_shared>>
        tpu.enqueue_indirect_dma source(%arg12 : memref<80x128xf32, #tpu.memory_space<vmem>>) target(%dma_start3A_169 : memref<10000x128xf32, #tpu.memory_space<vmem_shared>>) offsets(%arg10 : memref<80xi32, #tpu.memory_space<vmem>>) semaphore(%run_scoped3A : memref<!tpu.dma_semaphore, #tpu.memory_space<semaphore_mem>>) {add = true}
        %dma_wait3A_170 = arith.constant 0 : i32
        %dma_wait3A_171 = arith.constant 0 : i32
        %dma_wait3A_172 = tpu.memref_slice %arg7[%dma_wait3A_170, %dma_wait3A_171] : memref<10000x128xf32, #tpu.memory_space<vmem_shared>> -> memref<10000x128xf32, #tpu.memory_space<vmem_shared>>
        tpu.wait_indirect_dma semaphore(%run_scoped3A : memref<!tpu.dma_semaphore, #tpu.memory_space<semaphore_mem>>) src(%arg12 : memref<80x128xf32, #tpu.memory_space<vmem>>) dst(%dma_wait3A_172 : memref<10000x128xf32, #tpu.memory_space<vmem_shared>>)
        tpu.yield
      }) : () -> ()
    }
    %scan3A_13 = arith.constant 125 : i32
    %barrier3A_14 = arith.constant 0 : index
    tpu.barrier barrier_id(%barrier3A_14)
    %scan3A_15 = arith.constant 0 : i32
    %scan3A_16 = arith.constant 8 : i32
    %scan3A_17 = arith.addi %scan3A_15, %scan3A_16 : i32
    %scan3A_18 = arith.constant 1 : i32
    scf.for %scan3A_20 = %scan3A_15 to %scan3A_17 step %scan3A_18  : i32 {
      %mul3A = arith.constant 16 : i32
      %mul3A_21 = arith.muli %scan3A_20, %mul3A : i32
      %add3A = arith.addi %arg1, %mul3A_21 : i32
      %lt3A = arith.constant 125 : i32
      %lt3A_22 = arith.cmpi slt, %add3A, %lt3A : i32
      %convert_element_type3A = arith.extui %lt3A_22 : i1 to i32
      %cond3A = arith.constant 0 : i32
      %cond3A_23 = arith.cmpi ne, %convert_element_type3A, %cond3A : i32
      scf.if %cond3A_23 {
        %mul3A_24 = arith.constant 80 : i32
        %mul3A_25 = arith.muli %add3A, %mul3A_24 : i32
        "tpu.region"() ({
          %run_scoped3A = tpu.sem_alloc : memref<!tpu.dma_semaphore, #tpu.memory_space<semaphore_mem>>
          %dma_start3A = arith.constant 0 : i32
          %dma_start3A_29 = tpu.memref_slice %arg7[%mul3A_25, %dma_start3A] : memref<10000x128xf32, #tpu.memory_space<vmem_shared>> -> memref<80x128xf32, #tpu.memory_space<vmem_shared>>
          %dma_start3A_30 = arith.constant 0 : i32
          %dma_start3A_31 = tpu.memref_slice %arg7[%mul3A_25, %dma_start3A_30] : memref<10000x128xf32, #tpu.memory_space<vmem_shared>> -> memref<80x128xf32, #tpu.memory_space<vmem_shared>>
          tpu.enqueue_dma source(%dma_start3A_31 : memref<80x128xf32, #tpu.memory_space<vmem_shared>>) target(%arg8 : memref<80x128xf32, #tpu.memory_space<vmem>>) target_semaphore(%run_scoped3A : memref<!tpu.dma_semaphore, #tpu.memory_space<semaphore_mem>>)
          %dma_wait3A = arith.constant 0 : i32
          %dma_wait3A_32 = tpu.memref_slice %arg7[%mul3A_25, %dma_wait3A] : memref<10000x128xf32, #tpu.memory_space<vmem_shared>> -> memref<80x128xf32, #tpu.memory_space<vmem_shared>>
          %dma_wait3A_33 = arith.constant 0 : i32
          %dma_wait3A_34 = tpu.memref_slice %arg7[%mul3A_25, %dma_wait3A_33] : memref<10000x128xf32, #tpu.memory_space<vmem_shared>> -> memref<80x128xf32, #tpu.memory_space<vmem_shared>>
          tpu.wait_dma2 semaphore(%run_scoped3A : memref<!tpu.dma_semaphore, #tpu.memory_space<semaphore_mem>>) src(%dma_wait3A_34 : memref<80x128xf32, #tpu.memory_space<vmem_shared>>) dst(%arg8 : memref<80x128xf32, #tpu.memory_space<vmem>>)
          tpu.yield
        }) : () -> ()
        %mul3A_26 = arith.constant 10000 : i32
        %mul3A_27 = arith.muli %arg0, %mul3A_26 : i32
        %add3A_28 = arith.addi %mul3A_27, %mul3A_25 : i32
        "tpu.region"() ({
          %run_scoped3A = tpu.sem_alloc : memref<!tpu.dma_semaphore, #tpu.memory_space<semaphore_mem>>
          %dma_start3A = arith.constant 0 : i32
          %dma_start3A_29 = tpu.memref_slice %arg6[%add3A_28, %dma_start3A] : memref<20000x128xf32, #tpu.memory_space<hbm>> -> memref<80x128xf32, #tpu.memory_space<hbm>>
          %dma_start3A_30 = arith.constant 0 : i32
          %dma_start3A_31 = tpu.memref_slice %arg6[%add3A_28, %dma_start3A_30] : memref<20000x128xf32, #tpu.memory_space<hbm>> -> memref<80x128xf32, #tpu.memory_space<hbm>>
          tpu.enqueue_dma source(%arg8 : memref<80x128xf32, #tpu.memory_space<vmem>>) target(%dma_start3A_31 : memref<80x128xf32, #tpu.memory_space<hbm>>) target_semaphore(%run_scoped3A : memref<!tpu.dma_semaphore, #tpu.memory_space<semaphore_mem>>)
          %dma_wait3A = arith.constant 0 : i32
          %dma_wait3A_32 = tpu.memref_slice %arg6[%add3A_28, %dma_wait3A] : memref<20000x128xf32, #tpu.memory_space<hbm>> -> memref<80x128xf32, #tpu.memory_space<hbm>>
          %dma_wait3A_33 = arith.constant 0 : i32
          %dma_wait3A_34 = tpu.memref_slice %arg6[%add3A_28, %dma_wait3A_33] : memref<20000x128xf32, #tpu.memory_space<hbm>> -> memref<80x128xf32, #tpu.memory_space<hbm>>
          tpu.wait_dma2 semaphore(%run_scoped3A : memref<!tpu.dma_semaphore, #tpu.memory_space<semaphore_mem>>) src(%arg8 : memref<80x128xf32, #tpu.memory_space<vmem>>) dst(%dma_wait3A_34 : memref<80x128xf32, #tpu.memory_space<hbm>>)
          tpu.yield
        }) : () -> ()
      } else {
      }
    }
    %scan3A_19 = arith.constant 8 : i32
    return
  }
}

module attributes {stable_mosaic.version = 14 : i64} {
  func.func @_tc_body(%arg0: i32, %arg1: memref<4x4x4xf32, #tpu.memory_space<smem>>, %arg2: memref<4x64x64xf32, #tpu.memory_space<vmem>>, %arg3: memref<1000x128xf32, #tpu.memory_space<vmem>>, %arg4: memref<1000x128xf32, #tpu.memory_space<vmem>>, %arg5: memref<1000x256xf32, #tpu.memory_space<vmem>>, %arg6: memref<1x256xf32, #tpu.memory_space<vmem>>, %arg7: memref<1000x256xf32, #tpu.memory_space<vmem>>, %arg8: memref<256x256xf32, #tpu.memory_space<vmem>>) attributes {dimension_semantics = [#tpu.dimension_semantics<arbitrary>], iteration_bounds = array<i64: 10>, scalar_prefetch = 0 : i64, scratch_operands = 1 : i64, tpu.core_type = #tpu.core_type<tc>, window_params = [{transform_indices = @transform_0, window_bounds = array<i64: 4, 4, 4>}, {pipeline_mode = #tpu.pipeline_mode<synchronous>, transform_indices = @transform_1, window_bounds = array<i64: 4, 64, 64>}, {transform_indices = @transform_2, window_bounds = array<i64: 1000, 128>}, {transform_indices = @transform_3, window_bounds = array<i64: 1000, 128>}, {transform_indices = @transform_4, window_bounds = array<i64: 1000, 256>}, {pipeline_mode = #tpu.pipeline_mode<synchronous>, transform_indices = @transform_5, window_bounds = array<i64: 1, 256>}, {transform_indices = @transform_6, window_bounds = array<i64: 1000, 256>}]} {
    %eq3A = arith.constant 0 : i32
    %eq3A_0 = arith.cmpi eq, %arg0, %eq3A : i32
    %convert_element_type3A = arith.extui %eq3A_0 : i1 to i32
    %cond3A = arith.constant 0 : i32
    %cond3A_1 = arith.cmpi ne, %convert_element_type3A, %cond3A : i32
    scf.if %cond3A_1 {
      %get3A_27 = arith.constant 0 : index
      %get3A_28 = arith.constant 0 : index
      %get3A_29 = arith.constant 0 : index
      %get3A_30 = memref.load %arg1[%get3A_27, %get3A_28, %get3A_29] : memref<4x4x4xf32, #tpu.memory_space<smem>>
      %get3A_31 = arith.constant 0 : index
      %get3A_32 = arith.constant 0 : index
      %get3A_33 = arith.constant 0 : index
      %get3A_34 = vector.load %arg2[%get3A_31, %get3A_32, %get3A_33] : memref<4x64x64xf32, #tpu.memory_space<vmem>>, vector<1x64x64xf32>
      %get3A_35 = vector.shape_cast %get3A_34 : vector<1x64x64xf32> to vector<64x64xf32>
      %mul3A = vector.broadcast %get3A_30 : f32 to vector<64x64xf32>
      %mul3A_36 = arith.mulf %mul3A, %get3A_35 : vector<64x64xf32>
      %get3A_37 = arith.constant 1 : index
      %get3A_38 = arith.constant 0 : index
      %get3A_39 = arith.constant 0 : index
      %get3A_40 = memref.load %arg1[%get3A_37, %get3A_38, %get3A_39] : memref<4x4x4xf32, #tpu.memory_space<smem>>
      %get3A_41 = arith.constant 1 : index
      %get3A_42 = arith.constant 0 : index
      %get3A_43 = arith.constant 0 : index
      %get3A_44 = vector.load %arg2[%get3A_41, %get3A_42, %get3A_43] : memref<4x64x64xf32, #tpu.memory_space<vmem>>, vector<1x64x64xf32>
      %get3A_45 = vector.shape_cast %get3A_44 : vector<1x64x64xf32> to vector<64x64xf32>
      %mul3A_46 = vector.broadcast %get3A_40 : f32 to vector<64x64xf32>
      %mul3A_47 = arith.mulf %mul3A_46, %get3A_45 : vector<64x64xf32>
      %add3A_48 = arith.addf %mul3A_36, %mul3A_47 : vector<64x64xf32>
      %get3A_49 = arith.constant 2 : index
      %get3A_50 = arith.constant 0 : index
      %get3A_51 = arith.constant 0 : index
      %get3A_52 = memref.load %arg1[%get3A_49, %get3A_50, %get3A_51] : memref<4x4x4xf32, #tpu.memory_space<smem>>
      %get3A_53 = arith.constant 2 : index
      %get3A_54 = arith.constant 0 : index
      %get3A_55 = arith.constant 0 : index
      %get3A_56 = vector.load %arg2[%get3A_53, %get3A_54, %get3A_55] : memref<4x64x64xf32, #tpu.memory_space<vmem>>, vector<1x64x64xf32>
      %get3A_57 = vector.shape_cast %get3A_56 : vector<1x64x64xf32> to vector<64x64xf32>
      %mul3A_58 = vector.broadcast %get3A_52 : f32 to vector<64x64xf32>
      %mul3A_59 = arith.mulf %mul3A_58, %get3A_57 : vector<64x64xf32>
      %add3A_60 = arith.addf %add3A_48, %mul3A_59 : vector<64x64xf32>
      %get3A_61 = arith.constant 3 : index
      %get3A_62 = arith.constant 0 : index
      %get3A_63 = arith.constant 0 : index
      %get3A_64 = memref.load %arg1[%get3A_61, %get3A_62, %get3A_63] : memref<4x4x4xf32, #tpu.memory_space<smem>>
      %get3A_65 = arith.constant 3 : index
      %get3A_66 = arith.constant 0 : index
      %get3A_67 = arith.constant 0 : index
      %get3A_68 = vector.load %arg2[%get3A_65, %get3A_66, %get3A_67] : memref<4x64x64xf32, #tpu.memory_space<vmem>>, vector<1x64x64xf32>
      %get3A_69 = vector.shape_cast %get3A_68 : vector<1x64x64xf32> to vector<64x64xf32>
      %mul3A_70 = vector.broadcast %get3A_64 : f32 to vector<64x64xf32>
      %mul3A_71 = arith.mulf %mul3A_70, %get3A_69 : vector<64x64xf32>
      %add3A_72 = arith.addf %add3A_60, %mul3A_71 : vector<64x64xf32>
      %swap3A_73 = arith.constant 0 : index
      %swap3A_74 = arith.constant 0 : index
      %swap3A_75 = vector.load %arg8[%swap3A_73, %swap3A_74] : memref<256x256xf32, #tpu.memory_space<vmem>>, vector<64x64xf32>
      tpu.vector_store %arg8[%swap3A_73, %swap3A_74], %add3A_72 {strides = array<i32>} : memref<256x256xf32, #tpu.memory_space<vmem>>, vector<64x64xf32>,
      %get3A_76 = arith.constant 0 : index
      %get3A_77 = arith.constant 0 : index
      %get3A_78 = arith.constant 1 : index
      %get3A_79 = memref.load %arg1[%get3A_76, %get3A_77, %get3A_78] : memref<4x4x4xf32, #tpu.memory_space<smem>>
      %get3A_80 = arith.constant 0 : index
      %get3A_81 = arith.constant 0 : index
      %get3A_82 = arith.constant 0 : index
      %get3A_83 = vector.load %arg2[%get3A_80, %get3A_81, %get3A_82] : memref<4x64x64xf32, #tpu.memory_space<vmem>>, vector<1x64x64xf32>
      %get3A_84 = vector.shape_cast %get3A_83 : vector<1x64x64xf32> to vector<64x64xf32>
      %mul3A_85 = vector.broadcast %get3A_79 : f32 to vector<64x64xf32>
      %mul3A_86 = arith.mulf %mul3A_85, %get3A_84 : vector<64x64xf32>
      %get3A_87 = arith.constant 1 : index
      %get3A_88 = arith.constant 0 : index
      %get3A_89 = arith.constant 1 : index
      %get3A_90 = memref.load %arg1[%get3A_87, %get3A_88, %get3A_89] : memref<4x4x4xf32, #tpu.memory_space<smem>>
      %get3A_91 = arith.constant 1 : index
      %get3A_92 = arith.constant 0 : index
      %get3A_93 = arith.constant 0 : index
      %get3A_94 = vector.load %arg2[%get3A_91, %get3A_92, %get3A_93] : memref<4x64x64xf32, #tpu.memory_space<vmem>>, vector<1x64x64xf32>
      %get3A_95 = vector.shape_cast %get3A_94 : vector<1x64x64xf32> to vector<64x64xf32>
      %mul3A_96 = vector.broadcast %get3A_90 : f32 to vector<64x64xf32>
      %mul3A_97 = arith.mulf %mul3A_96, %get3A_95 : vector<64x64xf32>
      %add3A_98 = arith.addf %mul3A_86, %mul3A_97 : vector<64x64xf32>
      %get3A_99 = arith.constant 2 : index
      %get3A_100 = arith.constant 0 : index
      %get3A_101 = arith.constant 1 : index
      %get3A_102 = memref.load %arg1[%get3A_99, %get3A_100, %get3A_101] : memref<4x4x4xf32, #tpu.memory_space<smem>>
      %get3A_103 = arith.constant 2 : index
      %get3A_104 = arith.constant 0 : index
      %get3A_105 = arith.constant 0 : index
      %get3A_106 = vector.load %arg2[%get3A_103, %get3A_104, %get3A_105] : memref<4x64x64xf32, #tpu.memory_space<vmem>>, vector<1x64x64xf32>
      %get3A_107 = vector.shape_cast %get3A_106 : vector<1x64x64xf32> to vector<64x64xf32>
      %mul3A_108 = vector.broadcast %get3A_102 : f32 to vector<64x64xf32>
      %mul3A_109 = arith.mulf %mul3A_108, %get3A_107 : vector<64x64xf32>
      %add3A_110 = arith.addf %add3A_98, %mul3A_109 : vector<64x64xf32>
      %get3A_111 = arith.constant 3 : index
      %get3A_112 = arith.constant 0 : index
      %get3A_113 = arith.constant 1 : index
      %get3A_114 = memref.load %arg1[%get3A_111, %get3A_112, %get3A_113] : memref<4x4x4xf32, #tpu.memory_space<smem>>
      %get3A_115 = arith.constant 3 : index
      %get3A_116 = arith.constant 0 : index
      %get3A_117 = arith.constant 0 : index
      %get3A_118 = vector.load %arg2[%get3A_115, %get3A_116, %get3A_117] : memref<4x64x64xf32, #tpu.memory_space<vmem>>, vector<1x64x64xf32>
      %get3A_119 = vector.shape_cast %get3A_118 : vector<1x64x64xf32> to vector<64x64xf32>
      %mul3A_120 = vector.broadcast %get3A_114 : f32 to vector<64x64xf32>
      %mul3A_121 = arith.mulf %mul3A_120, %get3A_119 : vector<64x64xf32>
      %add3A_122 = arith.addf %add3A_110, %mul3A_121 : vector<64x64xf32>
      %swap3A_123 = arith.constant 0 : index
      %swap3A_124 = arith.constant 64 : index
      %swap3A_125 = vector.load %arg8[%swap3A_123, %swap3A_124] : memref<256x256xf32, #tpu.memory_space<vmem>>, vector<64x64xf32>
      tpu.vector_store %arg8[%swap3A_123, %swap3A_124], %add3A_122 {strides = array<i32>} : memref<256x256xf32, #tpu.memory_space<vmem>>, vector<64x64xf32>,
      %get3A_126 = arith.constant 0 : index
      %get3A_127 = arith.constant 0 : index
      %get3A_128 = arith.constant 2 : index
      %get3A_129 = memref.load %arg1[%get3A_126, %get3A_127, %get3A_128] : memref<4x4x4xf32, #tpu.memory_space<smem>>
      %get3A_130 = arith.constant 0 : index
      %get3A_131 = arith.constant 0 : index
      %get3A_132 = arith.constant 0 : index
      %get3A_133 = vector.load %arg2[%get3A_130, %get3A_131, %get3A_132] : memref<4x64x64xf32, #tpu.memory_space<vmem>>, vector<1x64x64xf32>
      %get3A_134 = vector.shape_cast %get3A_133 : vector<1x64x64xf32> to vector<64x64xf32>
      %mul3A_135 = vector.broadcast %get3A_129 : f32 to vector<64x64xf32>
      %mul3A_136 = arith.mulf %mul3A_135, %get3A_134 : vector<64x64xf32>
      %get3A_137 = arith.constant 1 : index
      %get3A_138 = arith.constant 0 : index
      %get3A_139 = arith.constant 2 : index
      %get3A_140 = memref.load %arg1[%get3A_137, %get3A_138, %get3A_139] : memref<4x4x4xf32, #tpu.memory_space<smem>>
      %get3A_141 = arith.constant 1 : index
      %get3A_142 = arith.constant 0 : index
      %get3A_143 = arith.constant 0 : index
      %get3A_144 = vector.load %arg2[%get3A_141, %get3A_142, %get3A_143] : memref<4x64x64xf32, #tpu.memory_space<vmem>>, vector<1x64x64xf32>
      %get3A_145 = vector.shape_cast %get3A_144 : vector<1x64x64xf32> to vector<64x64xf32>
      %mul3A_146 = vector.broadcast %get3A_140 : f32 to vector<64x64xf32>
      %mul3A_147 = arith.mulf %mul3A_146, %get3A_145 : vector<64x64xf32>
      %add3A_148 = arith.addf %mul3A_136, %mul3A_147 : vector<64x64xf32>
      %get3A_149 = arith.constant 2 : index
      %get3A_150 = arith.constant 0 : index
      %get3A_151 = arith.constant 2 : index
      %get3A_152 = memref.load %arg1[%get3A_149, %get3A_150, %get3A_151] : memref<4x4x4xf32, #tpu.memory_space<smem>>
      %get3A_153 = arith.constant 2 : index
      %get3A_154 = arith.constant 0 : index
      %get3A_155 = arith.constant 0 : index
      %get3A_156 = vector.load %arg2[%get3A_153, %get3A_154, %get3A_155] : memref<4x64x64xf32, #tpu.memory_space<vmem>>, vector<1x64x64xf32>
      %get3A_157 = vector.shape_cast %get3A_156 : vector<1x64x64xf32> to vector<64x64xf32>
      %mul3A_158 = vector.broadcast %get3A_152 : f32 to vector<64x64xf32>
      %mul3A_159 = arith.mulf %mul3A_158, %get3A_157 : vector<64x64xf32>
      %add3A_160 = arith.addf %add3A_148, %mul3A_159 : vector<64x64xf32>
      %get3A_161 = arith.constant 3 : index
      %get3A_162 = arith.constant 0 : index
      %get3A_163 = arith.constant 2 : index
      %get3A_164 = memref.load %arg1[%get3A_161, %get3A_162, %get3A_163] : memref<4x4x4xf32, #tpu.memory_space<smem>>
      %get3A_165 = arith.constant 3 : index
      %get3A_166 = arith.constant 0 : index
      %get3A_167 = arith.constant 0 : index
      %get3A_168 = vector.load %arg2[%get3A_165, %get3A_166, %get3A_167] : memref<4x64x64xf32, #tpu.memory_space<vmem>>, vector<1x64x64xf32>
      %get3A_169 = vector.shape_cast %get3A_168 : vector<1x64x64xf32> to vector<64x64xf32>
      %mul3A_170 = vector.broadcast %get3A_164 : f32 to vector<64x64xf32>
      %mul3A_171 = arith.mulf %mul3A_170, %get3A_169 : vector<64x64xf32>
      %add3A_172 = arith.addf %add3A_160, %mul3A_171 : vector<64x64xf32>
      %swap3A_173 = arith.constant 0 : index
      %swap3A_174 = arith.constant 128 : index
      %swap3A_175 = vector.load %arg8[%swap3A_173, %swap3A_174] : memref<256x256xf32, #tpu.memory_space<vmem>>, vector<64x64xf32>
      tpu.vector_store %arg8[%swap3A_173, %swap3A_174], %add3A_172 {strides = array<i32>} : memref<256x256xf32, #tpu.memory_space<vmem>>, vector<64x64xf32>,
      %get3A_176 = arith.constant 0 : index
      %get3A_177 = arith.constant 0 : index
      %get3A_178 = arith.constant 3 : index
      %get3A_179 = memref.load %arg1[%get3A_176, %get3A_177, %get3A_178] : memref<4x4x4xf32, #tpu.memory_space<smem>>
      %get3A_180 = arith.constant 0 : index
      %get3A_181 = arith.constant 0 : index
      %get3A_182 = arith.constant 0 : index
      %get3A_183 = vector.load %arg2[%get3A_180, %get3A_181, %get3A_182] : memref<4x64x64xf32, #tpu.memory_space<vmem>>, vector<1x64x64xf32>
      %get3A_184 = vector.shape_cast %get3A_183 : vector<1x64x64xf32> to vector<64x64xf32>
      %mul3A_185 = vector.broadcast %get3A_179 : f32 to vector<64x64xf32>
      %mul3A_186 = arith.mulf %mul3A_185, %get3A_184 : vector<64x64xf32>
      %get3A_187 = arith.constant 1 : index
      %get3A_188 = arith.constant 0 : index
      %get3A_189 = arith.constant 3 : index
      %get3A_190 = memref.load %arg1[%get3A_187, %get3A_188, %get3A_189] : memref<4x4x4xf32, #tpu.memory_space<smem>>
      %get3A_191 = arith.constant 1 : index
      %get3A_192 = arith.constant 0 : index
      %get3A_193 = arith.constant 0 : index
      %get3A_194 = vector.load %arg2[%get3A_191, %get3A_192, %get3A_193] : memref<4x64x64xf32, #tpu.memory_space<vmem>>, vector<1x64x64xf32>
      %get3A_195 = vector.shape_cast %get3A_194 : vector<1x64x64xf32> to vector<64x64xf32>
      %mul3A_196 = vector.broadcast %get3A_190 : f32 to vector<64x64xf32>
      %mul3A_197 = arith.mulf %mul3A_196, %get3A_195 : vector<64x64xf32>
      %add3A_198 = arith.addf %mul3A_186, %mul3A_197 : vector<64x64xf32>
      %get3A_199 = arith.constant 2 : index
      %get3A_200 = arith.constant 0 : index
      %get3A_201 = arith.constant 3 : index
      %get3A_202 = memref.load %arg1[%get3A_199, %get3A_200, %get3A_201] : memref<4x4x4xf32, #tpu.memory_space<smem>>
      %get3A_203 = arith.constant 2 : index
      %get3A_204 = arith.constant 0 : index
      %get3A_205 = arith.constant 0 : index
      %get3A_206 = vector.load %arg2[%get3A_203, %get3A_204, %get3A_205] : memref<4x64x64xf32, #tpu.memory_space<vmem>>, vector<1x64x64xf32>
      %get3A_207 = vector.shape_cast %get3A_206 : vector<1x64x64xf32> to vector<64x64xf32>
      %mul3A_208 = vector.broadcast %get3A_202 : f32 to vector<64x64xf32>
      %mul3A_209 = arith.mulf %mul3A_208, %get3A_207 : vector<64x64xf32>
      %add3A_210 = arith.addf %add3A_198, %mul3A_209 : vector<64x64xf32>
      %get3A_211 = arith.constant 3 : index
      %get3A_212 = arith.constant 0 : index
      %get3A_213 = arith.constant 3 : index
      %get3A_214 = memref.load %arg1[%get3A_211, %get3A_212, %get3A_213] : memref<4x4x4xf32, #tpu.memory_space<smem>>
      %get3A_215 = arith.constant 3 : index
      %get3A_216 = arith.constant 0 : index
      %get3A_217 = arith.constant 0 : index
      %get3A_218 = vector.load %arg2[%get3A_215, %get3A_216, %get3A_217] : memref<4x64x64xf32, #tpu.memory_space<vmem>>, vector<1x64x64xf32>
      %get3A_219 = vector.shape_cast %get3A_218 : vector<1x64x64xf32> to vector<64x64xf32>
      %mul3A_220 = vector.broadcast %get3A_214 : f32 to vector<64x64xf32>
      %mul3A_221 = arith.mulf %mul3A_220, %get3A_219 : vector<64x64xf32>
      %add3A_222 = arith.addf %add3A_210, %mul3A_221 : vector<64x64xf32>
      %swap3A_223 = arith.constant 0 : index
      %swap3A_224 = arith.constant 192 : index
      %swap3A_225 = vector.load %arg8[%swap3A_223, %swap3A_224] : memref<256x256xf32, #tpu.memory_space<vmem>>, vector<64x64xf32>
      tpu.vector_store %arg8[%swap3A_223, %swap3A_224], %add3A_222 {strides = array<i32>} : memref<256x256xf32, #tpu.memory_space<vmem>>, vector<64x64xf32>,
      %get3A_226 = arith.constant 0 : index
      %get3A_227 = arith.constant 1 : index
      %get3A_228 = arith.constant 0 : index
      %get3A_229 = memref.load %arg1[%get3A_226, %get3A_227, %get3A_228] : memref<4x4x4xf32, #tpu.memory_space<smem>>
      %get3A_230 = arith.constant 0 : index
      %get3A_231 = arith.constant 0 : index
      %get3A_232 = arith.constant 0 : index
      %get3A_233 = vector.load %arg2[%get3A_230, %get3A_231, %get3A_232] : memref<4x64x64xf32, #tpu.memory_space<vmem>>, vector<1x64x64xf32>
      %get3A_234 = vector.shape_cast %get3A_233 : vector<1x64x64xf32> to vector<64x64xf32>
      %mul3A_235 = vector.broadcast %get3A_229 : f32 to vector<64x64xf32>
      %mul3A_236 = arith.mulf %mul3A_235, %get3A_234 : vector<64x64xf32>
      %get3A_237 = arith.constant 1 : index
      %get3A_238 = arith.constant 1 : index
      %get3A_239 = arith.constant 0 : index
      %get3A_240 = memref.load %arg1[%get3A_237, %get3A_238, %get3A_239] : memref<4x4x4xf32, #tpu.memory_space<smem>>
      %get3A_241 = arith.constant 1 : index
      %get3A_242 = arith.constant 0 : index
      %get3A_243 = arith.constant 0 : index
      %get3A_244 = vector.load %arg2[%get3A_241, %get3A_242, %get3A_243] : memref<4x64x64xf32, #tpu.memory_space<vmem>>, vector<1x64x64xf32>
      %get3A_245 = vector.shape_cast %get3A_244 : vector<1x64x64xf32> to vector<64x64xf32>
      %mul3A_246 = vector.broadcast %get3A_240 : f32 to vector<64x64xf32>
      %mul3A_247 = arith.mulf %mul3A_246, %get3A_245 : vector<64x64xf32>
      %add3A_248 = arith.addf %mul3A_236, %mul3A_247 : vector<64x64xf32>
      %get3A_249 = arith.constant 2 : index
      %get3A_250 = arith.constant 1 : index
      %get3A_251 = arith.constant 0 : index
      %get3A_252 = memref.load %arg1[%get3A_249, %get3A_250, %get3A_251] : memref<4x4x4xf32, #tpu.memory_space<smem>>
      %get3A_253 = arith.constant 2 : index
      %get3A_254 = arith.constant 0 : index
      %get3A_255 = arith.constant 0 : index
      %get3A_256 = vector.load %arg2[%get3A_253, %get3A_254, %get3A_255] : memref<4x64x64xf32, #tpu.memory_space<vmem>>, vector<1x64x64xf32>
      %get3A_257 = vector.shape_cast %get3A_256 : vector<1x64x64xf32> to vector<64x64xf32>
      %mul3A_258 = vector.broadcast %get3A_252 : f32 to vector<64x64xf32>
      %mul3A_259 = arith.mulf %mul3A_258, %get3A_257 : vector<64x64xf32>
      %add3A_260 = arith.addf %add3A_248, %mul3A_259 : vector<64x64xf32>
      %get3A_261 = arith.constant 3 : index
      %get3A_262 = arith.constant 1 : index
      %get3A_263 = arith.constant 0 : index
      %get3A_264 = memref.load %arg1[%get3A_261, %get3A_262, %get3A_263] : memref<4x4x4xf32, #tpu.memory_space<smem>>
      %get3A_265 = arith.constant 3 : index
      %get3A_266 = arith.constant 0 : index
      %get3A_267 = arith.constant 0 : index
      %get3A_268 = vector.load %arg2[%get3A_265, %get3A_266, %get3A_267] : memref<4x64x64xf32, #tpu.memory_space<vmem>>, vector<1x64x64xf32>
      %get3A_269 = vector.shape_cast %get3A_268 : vector<1x64x64xf32> to vector<64x64xf32>
      %mul3A_270 = vector.broadcast %get3A_264 : f32 to vector<64x64xf32>
      %mul3A_271 = arith.mulf %mul3A_270, %get3A_269 : vector<64x64xf32>
      %add3A_272 = arith.addf %add3A_260, %mul3A_271 : vector<64x64xf32>
      %swap3A_273 = arith.constant 64 : index
      %swap3A_274 = arith.constant 0 : index
      %swap3A_275 = vector.load %arg8[%swap3A_273, %swap3A_274] : memref<256x256xf32, #tpu.memory_space<vmem>>, vector<64x64xf32>
      tpu.vector_store %arg8[%swap3A_273, %swap3A_274], %add3A_272 {strides = array<i32>} : memref<256x256xf32, #tpu.memory_space<vmem>>, vector<64x64xf32>,
      %get3A_276 = arith.constant 0 : index
      %get3A_277 = arith.constant 1 : index
      %get3A_278 = arith.constant 1 : index
      %get3A_279 = memref.load %arg1[%get3A_276, %get3A_277, %get3A_278] : memref<4x4x4xf32, #tpu.memory_space<smem>>
      %get3A_280 = arith.constant 0 : index
      %get3A_281 = arith.constant 0 : index
      %get3A_282 = arith.constant 0 : index
      %get3A_283 = vector.load %arg2[%get3A_280, %get3A_281, %get3A_282] : memref<4x64x64xf32, #tpu.memory_space<vmem>>, vector<1x64x64xf32>
      %get3A_284 = vector.shape_cast %get3A_283 : vector<1x64x64xf32> to vector<64x64xf32>
      %mul3A_285 = vector.broadcast %get3A_279 : f32 to vector<64x64xf32>
      %mul3A_286 = arith.mulf %mul3A_285, %get3A_284 : vector<64x64xf32>
      %get3A_287 = arith.constant 1 : index
      %get3A_288 = arith.constant 1 : index
      %get3A_289 = arith.constant 1 : index
      %get3A_290 = memref.load %arg1[%get3A_287, %get3A_288, %get3A_289] : memref<4x4x4xf32, #tpu.memory_space<smem>>
      %get3A_291 = arith.constant 1 : index
      %get3A_292 = arith.constant 0 : index
      %get3A_293 = arith.constant 0 : index
      %get3A_294 = vector.load %arg2[%get3A_291, %get3A_292, %get3A_293] : memref<4x64x64xf32, #tpu.memory_space<vmem>>, vector<1x64x64xf32>
      %get3A_295 = vector.shape_cast %get3A_294 : vector<1x64x64xf32> to vector<64x64xf32>
      %mul3A_296 = vector.broadcast %get3A_290 : f32 to vector<64x64xf32>
      %mul3A_297 = arith.mulf %mul3A_296, %get3A_295 : vector<64x64xf32>
      %add3A_298 = arith.addf %mul3A_286, %mul3A_297 : vector<64x64xf32>
      %get3A_299 = arith.constant 2 : index
      %get3A_300 = arith.constant 1 : index
      %get3A_301 = arith.constant 1 : index
      %get3A_302 = memref.load %arg1[%get3A_299, %get3A_300, %get3A_301] : memref<4x4x4xf32, #tpu.memory_space<smem>>
      %get3A_303 = arith.constant 2 : index
      %get3A_304 = arith.constant 0 : index
      %get3A_305 = arith.constant 0 : index
      %get3A_306 = vector.load %arg2[%get3A_303, %get3A_304, %get3A_305] : memref<4x64x64xf32, #tpu.memory_space<vmem>>, vector<1x64x64xf32>
      %get3A_307 = vector.shape_cast %get3A_306 : vector<1x64x64xf32> to vector<64x64xf32>
      %mul3A_308 = vector.broadcast %get3A_302 : f32 to vector<64x64xf32>
      %mul3A_309 = arith.mulf %mul3A_308, %get3A_307 : vector<64x64xf32>
      %add3A_310 = arith.addf %add3A_298, %mul3A_309 : vector<64x64xf32>
      %get3A_311 = arith.constant 3 : index
      %get3A_312 = arith.constant 1 : index
      %get3A_313 = arith.constant 1 : index
      %get3A_314 = memref.load %arg1[%get3A_311, %get3A_312, %get3A_313] : memref<4x4x4xf32, #tpu.memory_space<smem>>
      %get3A_315 = arith.constant 3 : index
      %get3A_316 = arith.constant 0 : index
      %get3A_317 = arith.constant 0 : index
      %get3A_318 = vector.load %arg2[%get3A_315, %get3A_316, %get3A_317] : memref<4x64x64xf32, #tpu.memory_space<vmem>>, vector<1x64x64xf32>
      %get3A_319 = vector.shape_cast %get3A_318 : vector<1x64x64xf32> to vector<64x64xf32>
      %mul3A_320 = vector.broadcast %get3A_314 : f32 to vector<64x64xf32>
      %mul3A_321 = arith.mulf %mul3A_320, %get3A_319 : vector<64x64xf32>
      %add3A_322 = arith.addf %add3A_310, %mul3A_321 : vector<64x64xf32>
      %swap3A_323 = arith.constant 64 : index
      %swap3A_324 = arith.constant 64 : index
      %swap3A_325 = vector.load %arg8[%swap3A_323, %swap3A_324] : memref<256x256xf32, #tpu.memory_space<vmem>>, vector<64x64xf32>
      tpu.vector_store %arg8[%swap3A_323, %swap3A_324], %add3A_322 {strides = array<i32>} : memref<256x256xf32, #tpu.memory_space<vmem>>, vector<64x64xf32>,
      %get3A_326 = arith.constant 0 : index
      %get3A_327 = arith.constant 1 : index
      %get3A_328 = arith.constant 2 : index
      %get3A_329 = memref.load %arg1[%get3A_326, %get3A_327, %get3A_328] : memref<4x4x4xf32, #tpu.memory_space<smem>>
      %get3A_330 = arith.constant 0 : index
      %get3A_331 = arith.constant 0 : index
      %get3A_332 = arith.constant 0 : index
      %get3A_333 = vector.load %arg2[%get3A_330, %get3A_331, %get3A_332] : memref<4x64x64xf32, #tpu.memory_space<vmem>>, vector<1x64x64xf32>
      %get3A_334 = vector.shape_cast %get3A_333 : vector<1x64x64xf32> to vector<64x64xf32>
      %mul3A_335 = vector.broadcast %get3A_329 : f32 to vector<64x64xf32>
      %mul3A_336 = arith.mulf %mul3A_335, %get3A_334 : vector<64x64xf32>
      %get3A_337 = arith.constant 1 : index
      %get3A_338 = arith.constant 1 : index
      %get3A_339 = arith.constant 2 : index
      %get3A_340 = memref.load %arg1[%get3A_337, %get3A_338, %get3A_339] : memref<4x4x4xf32, #tpu.memory_space<smem>>
      %get3A_341 = arith.constant 1 : index
      %get3A_342 = arith.constant 0 : index
      %get3A_343 = arith.constant 0 : index
      %get3A_344 = vector.load %arg2[%get3A_341, %get3A_342, %get3A_343] : memref<4x64x64xf32, #tpu.memory_space<vmem>>, vector<1x64x64xf32>
      %get3A_345 = vector.shape_cast %get3A_344 : vector<1x64x64xf32> to vector<64x64xf32>
      %mul3A_346 = vector.broadcast %get3A_340 : f32 to vector<64x64xf32>
      %mul3A_347 = arith.mulf %mul3A_346, %get3A_345 : vector<64x64xf32>
      %add3A_348 = arith.addf %mul3A_336, %mul3A_347 : vector<64x64xf32>
      %get3A_349 = arith.constant 2 : index
      %get3A_350 = arith.constant 1 : index
      %get3A_351 = arith.constant 2 : index
      %get3A_352 = memref.load %arg1[%get3A_349, %get3A_350, %get3A_351] : memref<4x4x4xf32, #tpu.memory_space<smem>>
      %get3A_353 = arith.constant 2 : index
      %get3A_354 = arith.constant 0 : index
      %get3A_355 = arith.constant 0 : index
      %get3A_356 = vector.load %arg2[%get3A_353, %get3A_354, %get3A_355] : memref<4x64x64xf32, #tpu.memory_space<vmem>>, vector<1x64x64xf32>
      %get3A_357 = vector.shape_cast %get3A_356 : vector<1x64x64xf32> to vector<64x64xf32>
      %mul3A_358 = vector.broadcast %get3A_352 : f32 to vector<64x64xf32>
      %mul3A_359 = arith.mulf %mul3A_358, %get3A_357 : vector<64x64xf32>
      %add3A_360 = arith.addf %add3A_348, %mul3A_359 : vector<64x64xf32>
      %get3A_361 = arith.constant 3 : index
      %get3A_362 = arith.constant 1 : index
      %get3A_363 = arith.constant 2 : index
      %get3A_364 = memref.load %arg1[%get3A_361, %get3A_362, %get3A_363] : memref<4x4x4xf32, #tpu.memory_space<smem>>
      %get3A_365 = arith.constant 3 : index
      %get3A_366 = arith.constant 0 : index
      %get3A_367 = arith.constant 0 : index
      %get3A_368 = vector.load %arg2[%get3A_365, %get3A_366, %get3A_367] : memref<4x64x64xf32, #tpu.memory_space<vmem>>, vector<1x64x64xf32>
      %get3A_369 = vector.shape_cast %get3A_368 : vector<1x64x64xf32> to vector<64x64xf32>
      %mul3A_370 = vector.broadcast %get3A_364 : f32 to vector<64x64xf32>
      %mul3A_371 = arith.mulf %mul3A_370, %get3A_369 : vector<64x64xf32>
      %add3A_372 = arith.addf %add3A_360, %mul3A_371 : vector<64x64xf32>
      %swap3A_373 = arith.constant 64 : index
      %swap3A_374 = arith.constant 128 : index
      %swap3A_375 = vector.load %arg8[%swap3A_373, %swap3A_374] : memref<256x256xf32, #tpu.memory_space<vmem>>, vector<64x64xf32>
      tpu.vector_store %arg8[%swap3A_373, %swap3A_374], %add3A_372 {strides = array<i32>} : memref<256x256xf32, #tpu.memory_space<vmem>>, vector<64x64xf32>,
      %get3A_376 = arith.constant 0 : index
      %get3A_377 = arith.constant 1 : index
      %get3A_378 = arith.constant 3 : index
      %get3A_379 = memref.load %arg1[%get3A_376, %get3A_377, %get3A_378] : memref<4x4x4xf32, #tpu.memory_space<smem>>
      %get3A_380 = arith.constant 0 : index
      %get3A_381 = arith.constant 0 : index
      %get3A_382 = arith.constant 0 : index
      %get3A_383 = vector.load %arg2[%get3A_380, %get3A_381, %get3A_382] : memref<4x64x64xf32, #tpu.memory_space<vmem>>, vector<1x64x64xf32>
      %get3A_384 = vector.shape_cast %get3A_383 : vector<1x64x64xf32> to vector<64x64xf32>
      %mul3A_385 = vector.broadcast %get3A_379 : f32 to vector<64x64xf32>
      %mul3A_386 = arith.mulf %mul3A_385, %get3A_384 : vector<64x64xf32>
      %get3A_387 = arith.constant 1 : index
      %get3A_388 = arith.constant 1 : index
      %get3A_389 = arith.constant 3 : index
      %get3A_390 = memref.load %arg1[%get3A_387, %get3A_388, %get3A_389] : memref<4x4x4xf32, #tpu.memory_space<smem>>
      %get3A_391 = arith.constant 1 : index
      %get3A_392 = arith.constant 0 : index
      %get3A_393 = arith.constant 0 : index
      %get3A_394 = vector.load %arg2[%get3A_391, %get3A_392, %get3A_393] : memref<4x64x64xf32, #tpu.memory_space<vmem>>, vector<1x64x64xf32>
      %get3A_395 = vector.shape_cast %get3A_394 : vector<1x64x64xf32> to vector<64x64xf32>
      %mul3A_396 = vector.broadcast %get3A_390 : f32 to vector<64x64xf32>
      %mul3A_397 = arith.mulf %mul3A_396, %get3A_395 : vector<64x64xf32>
      %add3A_398 = arith.addf %mul3A_386, %mul3A_397 : vector<64x64xf32>
      %get3A_399 = arith.constant 2 : index
      %get3A_400 = arith.constant 1 : index
      %get3A_401 = arith.constant 3 : index
      %get3A_402 = memref.load %arg1[%get3A_399, %get3A_400, %get3A_401] : memref<4x4x4xf32, #tpu.memory_space<smem>>
      %get3A_403 = arith.constant 2 : index
      %get3A_404 = arith.constant 0 : index
      %get3A_405 = arith.constant 0 : index
      %get3A_406 = vector.load %arg2[%get3A_403, %get3A_404, %get3A_405] : memref<4x64x64xf32, #tpu.memory_space<vmem>>, vector<1x64x64xf32>
      %get3A_407 = vector.shape_cast %get3A_406 : vector<1x64x64xf32> to vector<64x64xf32>
      %mul3A_408 = vector.broadcast %get3A_402 : f32 to vector<64x64xf32>
      %mul3A_409 = arith.mulf %mul3A_408, %get3A_407 : vector<64x64xf32>
      %add3A_410 = arith.addf %add3A_398, %mul3A_409 : vector<64x64xf32>
      %get3A_411 = arith.constant 3 : index
      %get3A_412 = arith.constant 1 : index
      %get3A_413 = arith.constant 3 : index
      %get3A_414 = memref.load %arg1[%get3A_411, %get3A_412, %get3A_413] : memref<4x4x4xf32, #tpu.memory_space<smem>>
      %get3A_415 = arith.constant 3 : index
      %get3A_416 = arith.constant 0 : index
      %get3A_417 = arith.constant 0 : index
      %get3A_418 = vector.load %arg2[%get3A_415, %get3A_416, %get3A_417] : memref<4x64x64xf32, #tpu.memory_space<vmem>>, vector<1x64x64xf32>
      %get3A_419 = vector.shape_cast %get3A_418 : vector<1x64x64xf32> to vector<64x64xf32>
      %mul3A_420 = vector.broadcast %get3A_414 : f32 to vector<64x64xf32>
      %mul3A_421 = arith.mulf %mul3A_420, %get3A_419 : vector<64x64xf32>
      %add3A_422 = arith.addf %add3A_410, %mul3A_421 : vector<64x64xf32>
      %swap3A_423 = arith.constant 64 : index
      %swap3A_424 = arith.constant 192 : index
      %swap3A_425 = vector.load %arg8[%swap3A_423, %swap3A_424] : memref<256x256xf32, #tpu.memory_space<vmem>>, vector<64x64xf32>
      tpu.vector_store %arg8[%swap3A_423, %swap3A_424], %add3A_422 {strides = array<i32>} : memref<256x256xf32, #tpu.memory_space<vmem>>, vector<64x64xf32>,
      %get3A_426 = arith.constant 0 : index
      %get3A_427 = arith.constant 2 : index
      %get3A_428 = arith.constant 0 : index
      %get3A_429 = memref.load %arg1[%get3A_426, %get3A_427, %get3A_428] : memref<4x4x4xf32, #tpu.memory_space<smem>>
      %get3A_430 = arith.constant 0 : index
      %get3A_431 = arith.constant 0 : index
      %get3A_432 = arith.constant 0 : index
      %get3A_433 = vector.load %arg2[%get3A_430, %get3A_431, %get3A_432] : memref<4x64x64xf32, #tpu.memory_space<vmem>>, vector<1x64x64xf32>
      %get3A_434 = vector.shape_cast %get3A_433 : vector<1x64x64xf32> to vector<64x64xf32>
      %mul3A_435 = vector.broadcast %get3A_429 : f32 to vector<64x64xf32>
      %mul3A_436 = arith.mulf %mul3A_435, %get3A_434 : vector<64x64xf32>
      %get3A_437 = arith.constant 1 : index
      %get3A_438 = arith.constant 2 : index
      %get3A_439 = arith.constant 0 : index
      %get3A_440 = memref.load %arg1[%get3A_437, %get3A_438, %get3A_439] : memref<4x4x4xf32, #tpu.memory_space<smem>>
      %get3A_441 = arith.constant 1 : index
      %get3A_442 = arith.constant 0 : index
      %get3A_443 = arith.constant 0 : index
      %get3A_444 = vector.load %arg2[%get3A_441, %get3A_442, %get3A_443] : memref<4x64x64xf32, #tpu.memory_space<vmem>>, vector<1x64x64xf32>
      %get3A_445 = vector.shape_cast %get3A_444 : vector<1x64x64xf32> to vector<64x64xf32>
      %mul3A_446 = vector.broadcast %get3A_440 : f32 to vector<64x64xf32>
      %mul3A_447 = arith.mulf %mul3A_446, %get3A_445 : vector<64x64xf32>
      %add3A_448 = arith.addf %mul3A_436, %mul3A_447 : vector<64x64xf32>
      %get3A_449 = arith.constant 2 : index
      %get3A_450 = arith.constant 2 : index
      %get3A_451 = arith.constant 0 : index
      %get3A_452 = memref.load %arg1[%get3A_449, %get3A_450, %get3A_451] : memref<4x4x4xf32, #tpu.memory_space<smem>>
      %get3A_453 = arith.constant 2 : index
      %get3A_454 = arith.constant 0 : index
      %get3A_455 = arith.constant 0 : index
      %get3A_456 = vector.load %arg2[%get3A_453, %get3A_454, %get3A_455] : memref<4x64x64xf32, #tpu.memory_space<vmem>>, vector<1x64x64xf32>
      %get3A_457 = vector.shape_cast %get3A_456 : vector<1x64x64xf32> to vector<64x64xf32>
      %mul3A_458 = vector.broadcast %get3A_452 : f32 to vector<64x64xf32>
      %mul3A_459 = arith.mulf %mul3A_458, %get3A_457 : vector<64x64xf32>
      %add3A_460 = arith.addf %add3A_448, %mul3A_459 : vector<64x64xf32>
      %get3A_461 = arith.constant 3 : index
      %get3A_462 = arith.constant 2 : index
      %get3A_463 = arith.constant 0 : index
      %get3A_464 = memref.load %arg1[%get3A_461, %get3A_462, %get3A_463] : memref<4x4x4xf32, #tpu.memory_space<smem>>
      %get3A_465 = arith.constant 3 : index
      %get3A_466 = arith.constant 0 : index
      %get3A_467 = arith.constant 0 : index
      %get3A_468 = vector.load %arg2[%get3A_465, %get3A_466, %get3A_467] : memref<4x64x64xf32, #tpu.memory_space<vmem>>, vector<1x64x64xf32>
      %get3A_469 = vector.shape_cast %get3A_468 : vector<1x64x64xf32> to vector<64x64xf32>
      %mul3A_470 = vector.broadcast %get3A_464 : f32 to vector<64x64xf32>
      %mul3A_471 = arith.mulf %mul3A_470, %get3A_469 : vector<64x64xf32>
      %add3A_472 = arith.addf %add3A_460, %mul3A_471 : vector<64x64xf32>
      %swap3A_473 = arith.constant 128 : index
      %swap3A_474 = arith.constant 0 : index
      %swap3A_475 = vector.load %arg8[%swap3A_473, %swap3A_474] : memref<256x256xf32, #tpu.memory_space<vmem>>, vector<64x64xf32>
      tpu.vector_store %arg8[%swap3A_473, %swap3A_474], %add3A_472 {strides = array<i32>} : memref<256x256xf32, #tpu.memory_space<vmem>>, vector<64x64xf32>,
      %get3A_476 = arith.constant 0 : index
      %get3A_477 = arith.constant 2 : index
      %get3A_478 = arith.constant 1 : index
      %get3A_479 = memref.load %arg1[%get3A_476, %get3A_477, %get3A_478] : memref<4x4x4xf32, #tpu.memory_space<smem>>
      %get3A_480 = arith.constant 0 : index
      %get3A_481 = arith.constant 0 : index
      %get3A_482 = arith.constant 0 : index
      %get3A_483 = vector.load %arg2[%get3A_480, %get3A_481, %get3A_482] : memref<4x64x64xf32, #tpu.memory_space<vmem>>, vector<1x64x64xf32>
      %get3A_484 = vector.shape_cast %get3A_483 : vector<1x64x64xf32> to vector<64x64xf32>
      %mul3A_485 = vector.broadcast %get3A_479 : f32 to vector<64x64xf32>
      %mul3A_486 = arith.mulf %mul3A_485, %get3A_484 : vector<64x64xf32>
      %get3A_487 = arith.constant 1 : index
      %get3A_488 = arith.constant 2 : index
      %get3A_489 = arith.constant 1 : index
      %get3A_490 = memref.load %arg1[%get3A_487, %get3A_488, %get3A_489] : memref<4x4x4xf32, #tpu.memory_space<smem>>
      %get3A_491 = arith.constant 1 : index
      %get3A_492 = arith.constant 0 : index
      %get3A_493 = arith.constant 0 : index
      %get3A_494 = vector.load %arg2[%get3A_491, %get3A_492, %get3A_493] : memref<4x64x64xf32, #tpu.memory_space<vmem>>, vector<1x64x64xf32>
      %get3A_495 = vector.shape_cast %get3A_494 : vector<1x64x64xf32> to vector<64x64xf32>
      %mul3A_496 = vector.broadcast %get3A_490 : f32 to vector<64x64xf32>
      %mul3A_497 = arith.mulf %mul3A_496, %get3A_495 : vector<64x64xf32>
      %add3A_498 = arith.addf %mul3A_486, %mul3A_497 : vector<64x64xf32>
      %get3A_499 = arith.constant 2 : index
      %get3A_500 = arith.constant 2 : index
      %get3A_501 = arith.constant 1 : index
      %get3A_502 = memref.load %arg1[%get3A_499, %get3A_500, %get3A_501] : memref<4x4x4xf32, #tpu.memory_space<smem>>
      %get3A_503 = arith.constant 2 : index
      %get3A_504 = arith.constant 0 : index
      %get3A_505 = arith.constant 0 : index
      %get3A_506 = vector.load %arg2[%get3A_503, %get3A_504, %get3A_505] : memref<4x64x64xf32, #tpu.memory_space<vmem>>, vector<1x64x64xf32>
      %get3A_507 = vector.shape_cast %get3A_506 : vector<1x64x64xf32> to vector<64x64xf32>
      %mul3A_508 = vector.broadcast %get3A_502 : f32 to vector<64x64xf32>
      %mul3A_509 = arith.mulf %mul3A_508, %get3A_507 : vector<64x64xf32>
      %add3A_510 = arith.addf %add3A_498, %mul3A_509 : vector<64x64xf32>
      %get3A_511 = arith.constant 3 : index
      %get3A_512 = arith.constant 2 : index
      %get3A_513 = arith.constant 1 : index
      %get3A_514 = memref.load %arg1[%get3A_511, %get3A_512, %get3A_513] : memref<4x4x4xf32, #tpu.memory_space<smem>>
      %get3A_515 = arith.constant 3 : index
      %get3A_516 = arith.constant 0 : index
      %get3A_517 = arith.constant 0 : index
      %get3A_518 = vector.load %arg2[%get3A_515, %get3A_516, %get3A_517] : memref<4x64x64xf32, #tpu.memory_space<vmem>>, vector<1x64x64xf32>
      %get3A_519 = vector.shape_cast %get3A_518 : vector<1x64x64xf32> to vector<64x64xf32>
      %mul3A_520 = vector.broadcast %get3A_514 : f32 to vector<64x64xf32>
      %mul3A_521 = arith.mulf %mul3A_520, %get3A_519 : vector<64x64xf32>
      %add3A_522 = arith.addf %add3A_510, %mul3A_521 : vector<64x64xf32>
      %swap3A_523 = arith.constant 128 : index
      %swap3A_524 = arith.constant 64 : index
      %swap3A_525 = vector.load %arg8[%swap3A_523, %swap3A_524] : memref<256x256xf32, #tpu.memory_space<vmem>>, vector<64x64xf32>
      tpu.vector_store %arg8[%swap3A_523, %swap3A_524], %add3A_522 {strides = array<i32>} : memref<256x256xf32, #tpu.memory_space<vmem>>, vector<64x64xf32>,
      %get3A_526 = arith.constant 0 : index
      %get3A_527 = arith.constant 2 : index
      %get3A_528 = arith.constant 2 : index
      %get3A_529 = memref.load %arg1[%get3A_526, %get3A_527, %get3A_528] : memref<4x4x4xf32, #tpu.memory_space<smem>>
      %get3A_530 = arith.constant 0 : index
      %get3A_531 = arith.constant 0 : index
      %get3A_532 = arith.constant 0 : index
      %get3A_533 = vector.load %arg2[%get3A_530, %get3A_531, %get3A_532] : memref<4x64x64xf32, #tpu.memory_space<vmem>>, vector<1x64x64xf32>
      %get3A_534 = vector.shape_cast %get3A_533 : vector<1x64x64xf32> to vector<64x64xf32>
      %mul3A_535 = vector.broadcast %get3A_529 : f32 to vector<64x64xf32>
      %mul3A_536 = arith.mulf %mul3A_535, %get3A_534 : vector<64x64xf32>
      %get3A_537 = arith.constant 1 : index
      %get3A_538 = arith.constant 2 : index
      %get3A_539 = arith.constant 2 : index
      %get3A_540 = memref.load %arg1[%get3A_537, %get3A_538, %get3A_539] : memref<4x4x4xf32, #tpu.memory_space<smem>>
      %get3A_541 = arith.constant 1 : index
      %get3A_542 = arith.constant 0 : index
      %get3A_543 = arith.constant 0 : index
      %get3A_544 = vector.load %arg2[%get3A_541, %get3A_542, %get3A_543] : memref<4x64x64xf32, #tpu.memory_space<vmem>>, vector<1x64x64xf32>
      %get3A_545 = vector.shape_cast %get3A_544 : vector<1x64x64xf32> to vector<64x64xf32>
      %mul3A_546 = vector.broadcast %get3A_540 : f32 to vector<64x64xf32>
      %mul3A_547 = arith.mulf %mul3A_546, %get3A_545 : vector<64x64xf32>
      %add3A_548 = arith.addf %mul3A_536, %mul3A_547 : vector<64x64xf32>
      %get3A_549 = arith.constant 2 : index
      %get3A_550 = arith.constant 2 : index
      %get3A_551 = arith.constant 2 : index
      %get3A_552 = memref.load %arg1[%get3A_549, %get3A_550, %get3A_551] : memref<4x4x4xf32, #tpu.memory_space<smem>>
      %get3A_553 = arith.constant 2 : index
      %get3A_554 = arith.constant 0 : index
      %get3A_555 = arith.constant 0 : index
      %get3A_556 = vector.load %arg2[%get3A_553, %get3A_554, %get3A_555] : memref<4x64x64xf32, #tpu.memory_space<vmem>>, vector<1x64x64xf32>
      %get3A_557 = vector.shape_cast %get3A_556 : vector<1x64x64xf32> to vector<64x64xf32>
      %mul3A_558 = vector.broadcast %get3A_552 : f32 to vector<64x64xf32>
      %mul3A_559 = arith.mulf %mul3A_558, %get3A_557 : vector<64x64xf32>
      %add3A_560 = arith.addf %add3A_548, %mul3A_559 : vector<64x64xf32>
      %get3A_561 = arith.constant 3 : index
      %get3A_562 = arith.constant 2 : index
      %get3A_563 = arith.constant 2 : index
      %get3A_564 = memref.load %arg1[%get3A_561, %get3A_562, %get3A_563] : memref<4x4x4xf32, #tpu.memory_space<smem>>
      %get3A_565 = arith.constant 3 : index
      %get3A_566 = arith.constant 0 : index
      %get3A_567 = arith.constant 0 : index
      %get3A_568 = vector.load %arg2[%get3A_565, %get3A_566, %get3A_567] : memref<4x64x64xf32, #tpu.memory_space<vmem>>, vector<1x64x64xf32>
      %get3A_569 = vector.shape_cast %get3A_568 : vector<1x64x64xf32> to vector<64x64xf32>
      %mul3A_570 = vector.broadcast %get3A_564 : f32 to vector<64x64xf32>
      %mul3A_571 = arith.mulf %mul3A_570, %get3A_569 : vector<64x64xf32>
      %add3A_572 = arith.addf %add3A_560, %mul3A_571 : vector<64x64xf32>
      %swap3A_573 = arith.constant 128 : index
      %swap3A_574 = arith.constant 128 : index
      %swap3A_575 = vector.load %arg8[%swap3A_573, %swap3A_574] : memref<256x256xf32, #tpu.memory_space<vmem>>, vector<64x64xf32>
      tpu.vector_store %arg8[%swap3A_573, %swap3A_574], %add3A_572 {strides = array<i32>} : memref<256x256xf32, #tpu.memory_space<vmem>>, vector<64x64xf32>,
      %get3A_576 = arith.constant 0 : index
      %get3A_577 = arith.constant 2 : index
      %get3A_578 = arith.constant 3 : index
      %get3A_579 = memref.load %arg1[%get3A_576, %get3A_577, %get3A_578] : memref<4x4x4xf32, #tpu.memory_space<smem>>
      %get3A_580 = arith.constant 0 : index
      %get3A_581 = arith.constant 0 : index
      %get3A_582 = arith.constant 0 : index
      %get3A_583 = vector.load %arg2[%get3A_580, %get3A_581, %get3A_582] : memref<4x64x64xf32, #tpu.memory_space<vmem>>, vector<1x64x64xf32>
      %get3A_584 = vector.shape_cast %get3A_583 : vector<1x64x64xf32> to vector<64x64xf32>
      %mul3A_585 = vector.broadcast %get3A_579 : f32 to vector<64x64xf32>
      %mul3A_586 = arith.mulf %mul3A_585, %get3A_584 : vector<64x64xf32>
      %get3A_587 = arith.constant 1 : index
      %get3A_588 = arith.constant 2 : index
      %get3A_589 = arith.constant 3 : index
      %get3A_590 = memref.load %arg1[%get3A_587, %get3A_588, %get3A_589] : memref<4x4x4xf32, #tpu.memory_space<smem>>
      %get3A_591 = arith.constant 1 : index
      %get3A_592 = arith.constant 0 : index
      %get3A_593 = arith.constant 0 : index
      %get3A_594 = vector.load %arg2[%get3A_591, %get3A_592, %get3A_593] : memref<4x64x64xf32, #tpu.memory_space<vmem>>, vector<1x64x64xf32>
      %get3A_595 = vector.shape_cast %get3A_594 : vector<1x64x64xf32> to vector<64x64xf32>
      %mul3A_596 = vector.broadcast %get3A_590 : f32 to vector<64x64xf32>
      %mul3A_597 = arith.mulf %mul3A_596, %get3A_595 : vector<64x64xf32>
      %add3A_598 = arith.addf %mul3A_586, %mul3A_597 : vector<64x64xf32>
      %get3A_599 = arith.constant 2 : index
      %get3A_600 = arith.constant 2 : index
      %get3A_601 = arith.constant 3 : index
      %get3A_602 = memref.load %arg1[%get3A_599, %get3A_600, %get3A_601] : memref<4x4x4xf32, #tpu.memory_space<smem>>
      %get3A_603 = arith.constant 2 : index
      %get3A_604 = arith.constant 0 : index
      %get3A_605 = arith.constant 0 : index
      %get3A_606 = vector.load %arg2[%get3A_603, %get3A_604, %get3A_605] : memref<4x64x64xf32, #tpu.memory_space<vmem>>, vector<1x64x64xf32>
      %get3A_607 = vector.shape_cast %get3A_606 : vector<1x64x64xf32> to vector<64x64xf32>
      %mul3A_608 = vector.broadcast %get3A_602 : f32 to vector<64x64xf32>
      %mul3A_609 = arith.mulf %mul3A_608, %get3A_607 : vector<64x64xf32>
      %add3A_610 = arith.addf %add3A_598, %mul3A_609 : vector<64x64xf32>
      %get3A_611 = arith.constant 3 : index
      %get3A_612 = arith.constant 2 : index
      %get3A_613 = arith.constant 3 : index
      %get3A_614 = memref.load %arg1[%get3A_611, %get3A_612, %get3A_613] : memref<4x4x4xf32, #tpu.memory_space<smem>>
      %get3A_615 = arith.constant 3 : index
      %get3A_616 = arith.constant 0 : index
      %get3A_617 = arith.constant 0 : index
      %get3A_618 = vector.load %arg2[%get3A_615, %get3A_616, %get3A_617] : memref<4x64x64xf32, #tpu.memory_space<vmem>>, vector<1x64x64xf32>
      %get3A_619 = vector.shape_cast %get3A_618 : vector<1x64x64xf32> to vector<64x64xf32>
      %mul3A_620 = vector.broadcast %get3A_614 : f32 to vector<64x64xf32>
      %mul3A_621 = arith.mulf %mul3A_620, %get3A_619 : vector<64x64xf32>
      %add3A_622 = arith.addf %add3A_610, %mul3A_621 : vector<64x64xf32>
      %swap3A_623 = arith.constant 128 : index
      %swap3A_624 = arith.constant 192 : index
      %swap3A_625 = vector.load %arg8[%swap3A_623, %swap3A_624] : memref<256x256xf32, #tpu.memory_space<vmem>>, vector<64x64xf32>
      tpu.vector_store %arg8[%swap3A_623, %swap3A_624], %add3A_622 {strides = array<i32>} : memref<256x256xf32, #tpu.memory_space<vmem>>, vector<64x64xf32>,
      %get3A_626 = arith.constant 0 : index
      %get3A_627 = arith.constant 3 : index
      %get3A_628 = arith.constant 0 : index
      %get3A_629 = memref.load %arg1[%get3A_626, %get3A_627, %get3A_628] : memref<4x4x4xf32, #tpu.memory_space<smem>>
      %get3A_630 = arith.constant 0 : index
      %get3A_631 = arith.constant 0 : index
      %get3A_632 = arith.constant 0 : index
      %get3A_633 = vector.load %arg2[%get3A_630, %get3A_631, %get3A_632] : memref<4x64x64xf32, #tpu.memory_space<vmem>>, vector<1x64x64xf32>
      %get3A_634 = vector.shape_cast %get3A_633 : vector<1x64x64xf32> to vector<64x64xf32>
      %mul3A_635 = vector.broadcast %get3A_629 : f32 to vector<64x64xf32>
      %mul3A_636 = arith.mulf %mul3A_635, %get3A_634 : vector<64x64xf32>
      %get3A_637 = arith.constant 1 : index
      %get3A_638 = arith.constant 3 : index
      %get3A_639 = arith.constant 0 : index
      %get3A_640 = memref.load %arg1[%get3A_637, %get3A_638, %get3A_639] : memref<4x4x4xf32, #tpu.memory_space<smem>>
      %get3A_641 = arith.constant 1 : index
      %get3A_642 = arith.constant 0 : index
      %get3A_643 = arith.constant 0 : index
      %get3A_644 = vector.load %arg2[%get3A_641, %get3A_642, %get3A_643] : memref<4x64x64xf32, #tpu.memory_space<vmem>>, vector<1x64x64xf32>
      %get3A_645 = vector.shape_cast %get3A_644 : vector<1x64x64xf32> to vector<64x64xf32>
      %mul3A_646 = vector.broadcast %get3A_640 : f32 to vector<64x64xf32>
      %mul3A_647 = arith.mulf %mul3A_646, %get3A_645 : vector<64x64xf32>
      %add3A_648 = arith.addf %mul3A_636, %mul3A_647 : vector<64x64xf32>
      %get3A_649 = arith.constant 2 : index
      %get3A_650 = arith.constant 3 : index
      %get3A_651 = arith.constant 0 : index
      %get3A_652 = memref.load %arg1[%get3A_649, %get3A_650, %get3A_651] : memref<4x4x4xf32, #tpu.memory_space<smem>>
      %get3A_653 = arith.constant 2 : index
      %get3A_654 = arith.constant 0 : index
      %get3A_655 = arith.constant 0 : index
      %get3A_656 = vector.load %arg2[%get3A_653, %get3A_654, %get3A_655] : memref<4x64x64xf32, #tpu.memory_space<vmem>>, vector<1x64x64xf32>
      %get3A_657 = vector.shape_cast %get3A_656 : vector<1x64x64xf32> to vector<64x64xf32>
      %mul3A_658 = vector.broadcast %get3A_652 : f32 to vector<64x64xf32>
      %mul3A_659 = arith.mulf %mul3A_658, %get3A_657 : vector<64x64xf32>
      %add3A_660 = arith.addf %add3A_648, %mul3A_659 : vector<64x64xf32>
      %get3A_661 = arith.constant 3 : index
      %get3A_662 = arith.constant 3 : index
      %get3A_663 = arith.constant 0 : index
      %get3A_664 = memref.load %arg1[%get3A_661, %get3A_662, %get3A_663] : memref<4x4x4xf32, #tpu.memory_space<smem>>
      %get3A_665 = arith.constant 3 : index
      %get3A_666 = arith.constant 0 : index
      %get3A_667 = arith.constant 0 : index
      %get3A_668 = vector.load %arg2[%get3A_665, %get3A_666, %get3A_667] : memref<4x64x64xf32, #tpu.memory_space<vmem>>, vector<1x64x64xf32>
      %get3A_669 = vector.shape_cast %get3A_668 : vector<1x64x64xf32> to vector<64x64xf32>
      %mul3A_670 = vector.broadcast %get3A_664 : f32 to vector<64x64xf32>
      %mul3A_671 = arith.mulf %mul3A_670, %get3A_669 : vector<64x64xf32>
      %add3A_672 = arith.addf %add3A_660, %mul3A_671 : vector<64x64xf32>
      %swap3A_673 = arith.constant 192 : index
      %swap3A_674 = arith.constant 0 : index
      %swap3A_675 = vector.load %arg8[%swap3A_673, %swap3A_674] : memref<256x256xf32, #tpu.memory_space<vmem>>, vector<64x64xf32>
      tpu.vector_store %arg8[%swap3A_673, %swap3A_674], %add3A_672 {strides = array<i32>} : memref<256x256xf32, #tpu.memory_space<vmem>>, vector<64x64xf32>,
      %get3A_676 = arith.constant 0 : index
      %get3A_677 = arith.constant 3 : index
      %get3A_678 = arith.constant 1 : index
      %get3A_679 = memref.load %arg1[%get3A_676, %get3A_677, %get3A_678] : memref<4x4x4xf32, #tpu.memory_space<smem>>
      %get3A_680 = arith.constant 0 : index
      %get3A_681 = arith.constant 0 : index
      %get3A_682 = arith.constant 0 : index
      %get3A_683 = vector.load %arg2[%get3A_680, %get3A_681, %get3A_682] : memref<4x64x64xf32, #tpu.memory_space<vmem>>, vector<1x64x64xf32>
      %get3A_684 = vector.shape_cast %get3A_683 : vector<1x64x64xf32> to vector<64x64xf32>
      %mul3A_685 = vector.broadcast %get3A_679 : f32 to vector<64x64xf32>
      %mul3A_686 = arith.mulf %mul3A_685, %get3A_684 : vector<64x64xf32>
      %get3A_687 = arith.constant 1 : index
      %get3A_688 = arith.constant 3 : index
      %get3A_689 = arith.constant 1 : index
      %get3A_690 = memref.load %arg1[%get3A_687, %get3A_688, %get3A_689] : memref<4x4x4xf32, #tpu.memory_space<smem>>
      %get3A_691 = arith.constant 1 : index
      %get3A_692 = arith.constant 0 : index
      %get3A_693 = arith.constant 0 : index
      %get3A_694 = vector.load %arg2[%get3A_691, %get3A_692, %get3A_693] : memref<4x64x64xf32, #tpu.memory_space<vmem>>, vector<1x64x64xf32>
      %get3A_695 = vector.shape_cast %get3A_694 : vector<1x64x64xf32> to vector<64x64xf32>
      %mul3A_696 = vector.broadcast %get3A_690 : f32 to vector<64x64xf32>
      %mul3A_697 = arith.mulf %mul3A_696, %get3A_695 : vector<64x64xf32>
      %add3A_698 = arith.addf %mul3A_686, %mul3A_697 : vector<64x64xf32>
      %get3A_699 = arith.constant 2 : index
      %get3A_700 = arith.constant 3 : index
      %get3A_701 = arith.constant 1 : index
      %get3A_702 = memref.load %arg1[%get3A_699, %get3A_700, %get3A_701] : memref<4x4x4xf32, #tpu.memory_space<smem>>
      %get3A_703 = arith.constant 2 : index
      %get3A_704 = arith.constant 0 : index
      %get3A_705 = arith.constant 0 : index
      %get3A_706 = vector.load %arg2[%get3A_703, %get3A_704, %get3A_705] : memref<4x64x64xf32, #tpu.memory_space<vmem>>, vector<1x64x64xf32>
      %get3A_707 = vector.shape_cast %get3A_706 : vector<1x64x64xf32> to vector<64x64xf32>
      %mul3A_708 = vector.broadcast %get3A_702 : f32 to vector<64x64xf32>
      %mul3A_709 = arith.mulf %mul3A_708, %get3A_707 : vector<64x64xf32>
      %add3A_710 = arith.addf %add3A_698, %mul3A_709 : vector<64x64xf32>
      %get3A_711 = arith.constant 3 : index
      %get3A_712 = arith.constant 3 : index
      %get3A_713 = arith.constant 1 : index
      %get3A_714 = memref.load %arg1[%get3A_711, %get3A_712, %get3A_713] : memref<4x4x4xf32, #tpu.memory_space<smem>>
      %get3A_715 = arith.constant 3 : index
      %get3A_716 = arith.constant 0 : index
      %get3A_717 = arith.constant 0 : index
      %get3A_718 = vector.load %arg2[%get3A_715, %get3A_716, %get3A_717] : memref<4x64x64xf32, #tpu.memory_space<vmem>>, vector<1x64x64xf32>
      %get3A_719 = vector.shape_cast %get3A_718 : vector<1x64x64xf32> to vector<64x64xf32>
      %mul3A_720 = vector.broadcast %get3A_714 : f32 to vector<64x64xf32>
      %mul3A_721 = arith.mulf %mul3A_720, %get3A_719 : vector<64x64xf32>
      %add3A_722 = arith.addf %add3A_710, %mul3A_721 : vector<64x64xf32>
      %swap3A_723 = arith.constant 192 : index
      %swap3A_724 = arith.constant 64 : index
      %swap3A_725 = vector.load %arg8[%swap3A_723, %swap3A_724] : memref<256x256xf32, #tpu.memory_space<vmem>>, vector<64x64xf32>
      tpu.vector_store %arg8[%swap3A_723, %swap3A_724], %add3A_722 {strides = array<i32>} : memref<256x256xf32, #tpu.memory_space<vmem>>, vector<64x64xf32>,
      %get3A_726 = arith.constant 0 : index
      %get3A_727 = arith.constant 3 : index
      %get3A_728 = arith.constant 2 : index
      %get3A_729 = memref.load %arg1[%get3A_726, %get3A_727, %get3A_728] : memref<4x4x4xf32, #tpu.memory_space<smem>>
      %get3A_730 = arith.constant 0 : index
      %get3A_731 = arith.constant 0 : index
      %get3A_732 = arith.constant 0 : index
      %get3A_733 = vector.load %arg2[%get3A_730, %get3A_731, %get3A_732] : memref<4x64x64xf32, #tpu.memory_space<vmem>>, vector<1x64x64xf32>
      %get3A_734 = vector.shape_cast %get3A_733 : vector<1x64x64xf32> to vector<64x64xf32>
      %mul3A_735 = vector.broadcast %get3A_729 : f32 to vector<64x64xf32>
      %mul3A_736 = arith.mulf %mul3A_735, %get3A_734 : vector<64x64xf32>
      %get3A_737 = arith.constant 1 : index
      %get3A_738 = arith.constant 3 : index
      %get3A_739 = arith.constant 2 : index
      %get3A_740 = memref.load %arg1[%get3A_737, %get3A_738, %get3A_739] : memref<4x4x4xf32, #tpu.memory_space<smem>>
      %get3A_741 = arith.constant 1 : index
      %get3A_742 = arith.constant 0 : index
      %get3A_743 = arith.constant 0 : index
      %get3A_744 = vector.load %arg2[%get3A_741, %get3A_742, %get3A_743] : memref<4x64x64xf32, #tpu.memory_space<vmem>>, vector<1x64x64xf32>
      %get3A_745 = vector.shape_cast %get3A_744 : vector<1x64x64xf32> to vector<64x64xf32>
      %mul3A_746 = vector.broadcast %get3A_740 : f32 to vector<64x64xf32>
      %mul3A_747 = arith.mulf %mul3A_746, %get3A_745 : vector<64x64xf32>
      %add3A_748 = arith.addf %mul3A_736, %mul3A_747 : vector<64x64xf32>
      %get3A_749 = arith.constant 2 : index
      %get3A_750 = arith.constant 3 : index
      %get3A_751 = arith.constant 2 : index
      %get3A_752 = memref.load %arg1[%get3A_749, %get3A_750, %get3A_751] : memref<4x4x4xf32, #tpu.memory_space<smem>>
      %get3A_753 = arith.constant 2 : index
      %get3A_754 = arith.constant 0 : index
      %get3A_755 = arith.constant 0 : index
      %get3A_756 = vector.load %arg2[%get3A_753, %get3A_754, %get3A_755] : memref<4x64x64xf32, #tpu.memory_space<vmem>>, vector<1x64x64xf32>
      %get3A_757 = vector.shape_cast %get3A_756 : vector<1x64x64xf32> to vector<64x64xf32>
      %mul3A_758 = vector.broadcast %get3A_752 : f32 to vector<64x64xf32>
      %mul3A_759 = arith.mulf %mul3A_758, %get3A_757 : vector<64x64xf32>
      %add3A_760 = arith.addf %add3A_748, %mul3A_759 : vector<64x64xf32>
      %get3A_761 = arith.constant 3 : index
      %get3A_762 = arith.constant 3 : index
      %get3A_763 = arith.constant 2 : index
      %get3A_764 = memref.load %arg1[%get3A_761, %get3A_762, %get3A_763] : memref<4x4x4xf32, #tpu.memory_space<smem>>
      %get3A_765 = arith.constant 3 : index
      %get3A_766 = arith.constant 0 : index
      %get3A_767 = arith.constant 0 : index
      %get3A_768 = vector.load %arg2[%get3A_765, %get3A_766, %get3A_767] : memref<4x64x64xf32, #tpu.memory_space<vmem>>, vector<1x64x64xf32>
      %get3A_769 = vector.shape_cast %get3A_768 : vector<1x64x64xf32> to vector<64x64xf32>
      %mul3A_770 = vector.broadcast %get3A_764 : f32 to vector<64x64xf32>
      %mul3A_771 = arith.mulf %mul3A_770, %get3A_769 : vector<64x64xf32>
      %add3A_772 = arith.addf %add3A_760, %mul3A_771 : vector<64x64xf32>
      %swap3A_773 = arith.constant 192 : index
      %swap3A_774 = arith.constant 128 : index
      %swap3A_775 = vector.load %arg8[%swap3A_773, %swap3A_774] : memref<256x256xf32, #tpu.memory_space<vmem>>, vector<64x64xf32>
      tpu.vector_store %arg8[%swap3A_773, %swap3A_774], %add3A_772 {strides = array<i32>} : memref<256x256xf32, #tpu.memory_space<vmem>>, vector<64x64xf32>,
      %get3A_776 = arith.constant 0 : index
      %get3A_777 = arith.constant 3 : index
      %get3A_778 = arith.constant 3 : index
      %get3A_779 = memref.load %arg1[%get3A_776, %get3A_777, %get3A_778] : memref<4x4x4xf32, #tpu.memory_space<smem>>
      %get3A_780 = arith.constant 0 : index
      %get3A_781 = arith.constant 0 : index
      %get3A_782 = arith.constant 0 : index
      %get3A_783 = vector.load %arg2[%get3A_780, %get3A_781, %get3A_782] : memref<4x64x64xf32, #tpu.memory_space<vmem>>, vector<1x64x64xf32>
      %get3A_784 = vector.shape_cast %get3A_783 : vector<1x64x64xf32> to vector<64x64xf32>
      %mul3A_785 = vector.broadcast %get3A_779 : f32 to vector<64x64xf32>
      %mul3A_786 = arith.mulf %mul3A_785, %get3A_784 : vector<64x64xf32>
      %get3A_787 = arith.constant 1 : index
      %get3A_788 = arith.constant 3 : index
      %get3A_789 = arith.constant 3 : index
      %get3A_790 = memref.load %arg1[%get3A_787, %get3A_788, %get3A_789] : memref<4x4x4xf32, #tpu.memory_space<smem>>
      %get3A_791 = arith.constant 1 : index
      %get3A_792 = arith.constant 0 : index
      %get3A_793 = arith.constant 0 : index
      %get3A_794 = vector.load %arg2[%get3A_791, %get3A_792, %get3A_793] : memref<4x64x64xf32, #tpu.memory_space<vmem>>, vector<1x64x64xf32>
      %get3A_795 = vector.shape_cast %get3A_794 : vector<1x64x64xf32> to vector<64x64xf32>
      %mul3A_796 = vector.broadcast %get3A_790 : f32 to vector<64x64xf32>
      %mul3A_797 = arith.mulf %mul3A_796, %get3A_795 : vector<64x64xf32>
      %add3A_798 = arith.addf %mul3A_786, %mul3A_797 : vector<64x64xf32>
      %get3A_799 = arith.constant 2 : index
      %get3A_800 = arith.constant 3 : index
      %get3A_801 = arith.constant 3 : index
      %get3A_802 = memref.load %arg1[%get3A_799, %get3A_800, %get3A_801] : memref<4x4x4xf32, #tpu.memory_space<smem>>
      %get3A_803 = arith.constant 2 : index
      %get3A_804 = arith.constant 0 : index
      %get3A_805 = arith.constant 0 : index
      %get3A_806 = vector.load %arg2[%get3A_803, %get3A_804, %get3A_805] : memref<4x64x64xf32, #tpu.memory_space<vmem>>, vector<1x64x64xf32>
      %get3A_807 = vector.shape_cast %get3A_806 : vector<1x64x64xf32> to vector<64x64xf32>
      %mul3A_808 = vector.broadcast %get3A_802 : f32 to vector<64x64xf32>
      %mul3A_809 = arith.mulf %mul3A_808, %get3A_807 : vector<64x64xf32>
      %add3A_810 = arith.addf %add3A_798, %mul3A_809 : vector<64x64xf32>
      %get3A_811 = arith.constant 3 : index
      %get3A_812 = arith.constant 3 : index
      %get3A_813 = arith.constant 3 : index
      %get3A_814 = memref.load %arg1[%get3A_811, %get3A_812, %get3A_813] : memref<4x4x4xf32, #tpu.memory_space<smem>>
      %get3A_815 = arith.constant 3 : index
      %get3A_816 = arith.constant 0 : index
      %get3A_817 = arith.constant 0 : index
      %get3A_818 = vector.load %arg2[%get3A_815, %get3A_816, %get3A_817] : memref<4x64x64xf32, #tpu.memory_space<vmem>>, vector<1x64x64xf32>
      %get3A_819 = vector.shape_cast %get3A_818 : vector<1x64x64xf32> to vector<64x64xf32>
      %mul3A_820 = vector.broadcast %get3A_814 : f32 to vector<64x64xf32>
      %mul3A_821 = arith.mulf %mul3A_820, %get3A_819 : vector<64x64xf32>
      %add3A_822 = arith.addf %add3A_810, %mul3A_821 : vector<64x64xf32>
      %swap3A_823 = arith.constant 192 : index
      %swap3A_824 = arith.constant 192 : index
      %swap3A_825 = vector.load %arg8[%swap3A_823, %swap3A_824] : memref<256x256xf32, #tpu.memory_space<vmem>>, vector<64x64xf32>
      tpu.vector_store %arg8[%swap3A_823, %swap3A_824], %add3A_822 {strides = array<i32>} : memref<256x256xf32, #tpu.memory_space<vmem>>, vector<64x64xf32>,
    } else {
    }
    %get3A = arith.constant 0 : index
    %get3A_2 = arith.constant 0 : index
    %get3A_3 = vector.load %arg8[%get3A, %get3A_2] : memref<256x256xf32, #tpu.memory_space<vmem>>, vector<256x128xf32>
    %get3A_4 = arith.constant 0 : index
    %get3A_5 = arith.constant 128 : index
    %get3A_6 = vector.load %arg8[%get3A_4, %get3A_5] : memref<256x256xf32, #tpu.memory_space<vmem>>, vector<256x128xf32>
    %get3A_7 = arith.constant 0 : index
    %get3A_8 = arith.constant 0 : index
    %get3A_9 = vector.load %arg3[%get3A_7, %get3A_8] : memref<1000x128xf32, #tpu.memory_space<vmem>>, vector<1000x128xf32>
    %dot_general3A = arith.constant dense<0.000000e+00> : vector<1000x256xf32>
    %dot_general3A_10 = tpu.matmul %get3A_9, %get3A_3, %dot_general3A {dimension_numbers = #tpu.dot_dimension_numbers<[1], [1], [0], [0], [0, 0, 1, 0], [], []>, transpose_lhs_hint = false} : vector<1000x128xf32>, vector<256x128xf32>, vector<1000x256xf32> -> vector<1000x256xf32>
    %get3A_11 = arith.constant 0 : index
    %get3A_12 = arith.constant 0 : index
    %get3A_13 = vector.load %arg4[%get3A_11, %get3A_12] : memref<1000x128xf32, #tpu.memory_space<vmem>>, vector<1000x128xf32>
    %dot_general3A_14 = arith.constant dense<0.000000e+00> : vector<1000x256xf32>
    %dot_general3A_15 = tpu.matmul %get3A_13, %get3A_6, %dot_general3A_14 {dimension_numbers = #tpu.dot_dimension_numbers<[1], [1], [0], [0], [0, 0, 1, 0], [], []>, transpose_lhs_hint = false} : vector<1000x128xf32>, vector<256x128xf32>, vector<1000x256xf32> -> vector<1000x256xf32>
    %add3A = arith.addf %dot_general3A_10, %dot_general3A_15 : vector<1000x256xf32>
    %get3A_16 = arith.constant 0 : index
    %get3A_17 = arith.constant 0 : index
    %get3A_18 = vector.load %arg5[%get3A_16, %get3A_17] : memref<1000x256xf32, #tpu.memory_space<vmem>>, vector<1000x256xf32>
    %add3A_19 = arith.addf %add3A, %get3A_18 : vector<1000x256xf32>
    %get3A_20 = arith.constant 0 : index
    %get3A_21 = arith.constant 0 : index
    %get3A_22 = vector.load %arg6[%get3A_20, %get3A_21] : memref<1x256xf32, #tpu.memory_space<vmem>>, vector<1x256xf32>
    %add3A_23 = vector.broadcast %get3A_22 : vector<1x256xf32> to vector<1000x256xf32>
    %add3A_24 = arith.addf %add3A_19, %add3A_23 : vector<1000x256xf32>
    %swap3A = arith.constant 0 : index
    %swap3A_25 = arith.constant 0 : index
    %swap3A_26 = vector.load %arg7[%swap3A, %swap3A_25] : memref<1000x256xf32, #tpu.memory_space<vmem>>, vector<1000x256xf32>
    tpu.vector_store %arg7[%swap3A, %swap3A_25], %add3A_24 {strides = array<i32>} : memref<1000x256xf32, #tpu.memory_space<vmem>>, vector<1000x256xf32>,
    return
  }
  func.func @transform_0(%arg0: i32) -> (i32, i32, i32) {
    %c0_i32 = arith.constant 0 : i32
    %c0_i32_0 = arith.constant 0 : i32
    %c0_i32_1 = arith.constant 0 : i32
    %c0_i32_2 = arith.constant 0 : i32
    return %c0_i32, %c0_i32_0, %c0_i32_1 : i32, i32, i32
  }
  func.func @transform_1(%arg0: i32) -> (i32, i32, i32) {
    %c0_i32 = arith.constant 0 : i32
    %c0_i32_0 = arith.constant 0 : i32
    %c0_i32_1 = arith.constant 0 : i32
    %c0_i32_2 = arith.constant 0 : i32
    return %c0_i32, %c0_i32_0, %c0_i32_1 : i32, i32, i32
  }
  func.func @transform_2(%arg0: i32) -> (i32, i32) {
    %c0_i32 = arith.constant 0 : i32
    %c0_i32_0 = arith.constant 0 : i32
    return %arg0, %c0_i32 : i32, i32
  }
  func.func @transform_3(%arg0: i32) -> (i32, i32) {
    %c0_i32 = arith.constant 0 : i32
    %c0_i32_0 = arith.constant 0 : i32
    return %arg0, %c0_i32 : i32, i32
  }
  func.func @transform_4(%arg0: i32) -> (i32, i32) {
    %c0_i32 = arith.constant 0 : i32
    %c0_i32_0 = arith.constant 0 : i32
    return %arg0, %c0_i32 : i32, i32
  }
  func.func @transform_5(%arg0: i32) -> (i32, i32) {
    %c0_i32 = arith.constant 0 : i32
    %c0_i32_0 = arith.constant 0 : i32
    %c0_i32_1 = arith.constant 0 : i32
    return %c0_i32, %c0_i32_0 : i32, i32
  }
  func.func @transform_6(%arg0: i32) -> (i32, i32) {
    %c0_i32 = arith.constant 0 : i32
    %c0_i32_0 = arith.constant 0 : i32
    return %arg0, %c0_i32 : i32, i32
  }
}

</mosaic_0001>

<sc_bundles>
// kernel: kernel.4.cloned.1.call-start
scs
__scs_entry_jumppad:
0x0: {  	(pc) =	sbr.rel $0x88, $3  }
0x1: {  	(tag) =	ssettag $0x0;
	lr =	simm.s32 $0x1  }
0x2: {  	[smem:$0x3F9B] =	sst lr;
	_ =	strace $0xD0000000  }
0x3: {  	_ = 	snop  }
0x4: {  	_ = 	snop  }
0x5: {  	_ = 	snop  }
0x6: {  	_ = 	snop  }
0x7: {  	_ = 	snop  }
__scs_overlays_trampoline_lowered:
0x8: {  	[smem:$0x3FAA] =	sst s0  }
0x9: {  	[smem:$0x3FAB] =	sst s1  }
0xa: {  	[smem:$0x3FAC] =	sst s2  }
0xb: {  	[smem:$0x3FAD] =	sst s3  }
0xc: {  	[smem:$0x3FAE] =	sst s4  }
0xd: {  	[smem:$0x3FAF] =	sst s5  }
0xe: {  	[smem:$0x3FB0] =	sst s6  }
0xf: {  	[smem:$0x3FB1] =	sst s7  }
0x10: {  	[smem:$0x3FB2] =	sst s8  }
0x11: {  	[smem:$0x3FB3] =	sst s9;
	s0 =	simm.s32 @!p0 $0x0  }
0x12: {  	s1 =	sld [smem:$0x3F99];
	s0 =	simm.s32 @p0 $0x1  }
0x13: {  	[smem:$0x3FB4] =	sst s0;
	s0 =	simm.s32 @!p1 $0x0  }
0x14: {  	s2 =	sld [smem:$0x3F98];
	s0 =	simm.s32 @p1 $0x1  }
0x15: {  	[smem:$0x3FB5] =	sst s0;
	s0 =	simm.s32 @!p2 $0x0  }
0x16: {  	s3 =	sld [smem:$0x3FDB];
	s0 =	simm.s32 @p2 $0x1  }
0x17: {  	s4 =	simm.s32 $0x1BF5;
	[smem:$0x3FB7] =	sst s0  }
0x18: {  	s0 =	sld [smem:$0x3F9A];
	_ =	swait.ge [sflag:s4], $0x0  }
0x19: {  	s7 =	sld [smem:$0x3F9B]  }
0x1a: {  	s8 =	sadd.s32 $0xFFFFE003, lr  }
0x1b: {  	s9 =	sadd.s32 $0xFFFFFEF7, lr;
	s5 =	simm.s32 $0xFFFFFFFF;
	p2 =	slt.u32 s8, $0xFFFFF086  }
0x1c: {  	p1 =	slt.u32 s9, $0xF7A;
	s5 =	simm.s32 @!p2 $0x0  }
0x1d: {  	s5 =	simm.s32 @p1 $0x1;
	p0 =	seq.s32 s7, s2  }
0x1e: {  	s7 =	smul.u32 @!p0 $0xF7A, s2;
	p2 =	seq.s32 @!p0 s5, $0x0  }
0x1f: {  	s9 =	smul.u32 $0xF7A, s1;
	s8 =	simm.s32 @!p0 $0x1BF5;
	p2 =	por !p2, p0  }
0x20: {  	[sflag:s8] =	ssyncset.s32 @!p0 $0xFFFFF086;
	s6 =	sadd.s32 @!p0 s3, s7;
	s7 =	simm.s32 @!p0 $0x108  }
0x21: {  	s3 =	sadd.s32 s3, s9;
	s6 =	sadd.s32 @!p0 $0x88, s6;
	s7 =	simm.s32 @p2 $0x1082  }
0x22: {  	[simem:s7], [sflag:s8] =	dma.local @!p0 [hbm:s6], $0xF7A  }
0x23: {  	s9 =	sor.u32 $0xD0000000, s2;
	s6 =	simm.s32 $0x108;
	_ =	swait.ge @!p0 [sflag:s8], $0x0  }
0x24: {  	s3 =	sadd.s32 $0x88, s3;
	s6 =	simm.s32 @!p1 $0x1082;
	[sflag:s4] =	ssyncset.s32 $0xFFFFF086  }
0x25: {  	[simem:s6], [sflag:s4] =	dma.local [hbm:s3], $0xF7A  }
0x26: {  	[smem:$0x3F9B] =	sst s1;
	(tag) =	ssettag s2;
	_ =	strace s9  }
0x27: {  	s1 =	sld [smem:$0x3FAB]  }
0x28: {  	s2 =	sld [smem:$0x3FAC]  }
0x29: {  	s4 =	sld [smem:$0x3FAE]  }
0x2a: {  	p0 =	seq.s32 s5, $0x0;
	s5 =	sld [smem:$0x3FAF]  }
0x2b: {  	s6 =	sld [smem:$0x3FB0]  }
0x2c: {  	s7 =	sld [smem:$0x3FB1]  }
0x2d: {  	s3 =	simm.s32 $0x108;
	s8 =	sld [smem:$0x3FB2]  }
0x2e: {  	s3 =	simm.s32 @!p0 $0x1082;
	s9 =	sld [smem:$0x3FB3]  }
0x2f: {  	lr =	sadd.s32 s0, s3;
	s0 =	sld [smem:$0x3FAA]  }
0x30: {  	s3 =	sld [smem:$0x3FAD]  }
0x31: {  	[smem:$0x3FB6] =	sst s10  }
0x32: {  	s10 =	sld [smem:$0x3FB4];
	_ =	sdelay $0x3  }
0x33: {  	p0 =	seq.s32 s10, $0x1;
	s10 =	sld [smem:$0x3FB6];
	_ =	sdelay $0x3  }
0x34: {  	[smem:$0x3FB6] =	sst s10  }
0x35: {  	s10 =	sld [smem:$0x3FB5];
	_ =	sdelay $0x3  }
0x36: {  	p1 =	seq.s32 s10, $0x1;
	s10 =	sld [smem:$0x3FB6];
	_ =	sdelay $0x3  }
0x37: {  	[smem:$0x3FB6] =	sst s10  }
0x38: {  	s10 =	sld [smem:$0x3FB7]  }
0x39: {  	_ = 	snop;
	(pc) =	sbr.ind lr, $3  }
0x3a: {  	_ = 	snop  }
0x3b: {  	_ = 	snop  }
0x3c: {  	p2 =	seq.s32 s10, $0x1;
	s10 =	sld [smem:$0x3FB6]  }
0x3d: {  	_ =	shalt  }
0x3e: {  	_ =	shalt  }
0x3f: {  	_ =	shalt  }
0x40: {  	_ =	shalt  }
0x41: {  	_ =	shalt  }
0x42: {  	_ =	shalt  }
0x43: {  	_ =	shalt  }
0x44: {  	_ =	shalt  }
0x45: {  	_ =	shalt  }
0x46: {  	_ =	shalt  }
0x47: {  	_ =	shalt  }
0x48: {  	_ =	shalt  }
0x49: {  	_ =	shalt  }
0x4a: {  	_ =	shalt  }
0x4b: {  	_ =	shalt  }
0x4c: {  	_ =	shalt  }
0x4d: {  	_ =	shalt  }
0x4e: {  	_ =	shalt  }
0x4f: {  	_ =	shalt  }
0x50: {  	_ =	shalt  }
0x51: {  	_ =	shalt  }
0x52: {  	_ =	shalt  }
0x53: {  	_ =	shalt  }
0x54: {  	_ =	shalt  }
0x55: {  	_ =	shalt  }
0x56: {  	_ =	shalt  }
0x57: {  	_ =	shalt  }
0x58: {  	_ =	shalt  }
0x59: {  	_ =	shalt  }
0x5a: {  	_ =	shalt  }
0x5b: {  	_ =	shalt  }
0x5c: {  	_ =	shalt  }
0x5d: {  	_ =	shalt  }
0x5e: {  	_ =	shalt  }
0x5f: {  	_ =	shalt  }
0x60: {  	_ =	shalt  }
0x61: {  	_ =	shalt  }
0x62: {  	_ =	shalt  }
0x63: {  	_ =	shalt  }
0x64: {  	_ =	shalt  }
0x65: {  	_ =	shalt  }
0x66: {  	_ =	shalt  }
0x67: {  	_ =	shalt  }
0x68: {  	_ =	shalt  }
0x69: {  	_ =	shalt  }
0x6a: {  	_ =	shalt  }
0x6b: {  	_ =	shalt  }
0x6c: {  	_ =	shalt  }
0x6d: {  	_ =	shalt  }
0x6e: {  	_ =	shalt  }
0x6f: {  	_ =	shalt  }
0x70: {  	_ =	shalt  }
0x71: {  	_ =	shalt  }
0x72: {  	_ =	shalt  }
0x73: {  	_ =	shalt  }
0x74: {  	_ =	shalt  }
0x75: {  	_ =	shalt  }
0x76: {  	_ =	shalt  }
0x77: {  	_ =	shalt  }
0x78: {  	_ =	shalt  }
0x79: {  	_ =	shalt  }
0x7a: {  	_ =	shalt  }
0x7b: {  	_ =	shalt  }
0x7c: {  	_ =	shalt  }
0x7d: {  	_ =	shalt  }
0x7e: {  	_ =	shalt  }
0x7f: {  	_ =	shalt  }
0x80: {  	_ =	shalt  }
0x81: {  	_ =	shalt  }
0x82: {  	_ =	shalt  }
0x83: {  	_ =	shalt  }
0x84: {  	_ =	shalt  }
0x85: {  	_ =	shalt  }
0x86: {  	_ =	shalt  }
0x87: {  	_ =	shalt  }
.Lfunc_end0:
.L_simem_size_0:
called_computation_lowered:
.L_overlay_start_0:
0x88: {  	s2 =	sld [smem:$0x3FD9]  }
0x89: {  	s3 =	sld [smem:$0x3FFE];
	_ =	sdelay $0x1  }
0x8a: {  	s1 =	srdreg.scid  }
0x8b: {  	s0 =	sand.u32 $0x1, s1  }
0x8c: {  	s17 =	sshll.u32 s0, $0xA;
	s2 =	sadd.s32 s3, s2  }
0x8d: {  	s2 =	sadd.s32 s2, s17  }
0x8e: {  	[smem:$0x3FC2] =	sst s2  }
0x8f: {  	_ = 	snop  }
0x90: {  	s2 =	sld [smem:$0x3FD0];
	(tm) =	ssettm $0x1  }
0x91: {  	s18 =	sld [smem:$0x3FFB];
	_ =	sdelay $0x3  }
0x92: {  	_ =	strace s18  }
0x93: {  	s3 =	sld [smem:$0x3FFC];
	_ =	sdelay $0x3  }
0x94: {  	_ =	strace s3  }
0x95: {  	s3 =	sld [smem:$0x3FFD];
	_ =	sdelay $0x3  }
0x96: {  	_ =	strace s3  }
0x97: {  	_ =	strace $0x8FFFFFFF  }
0x98: {  	s19 =	sld [smem:$0x3FDB];
	_ =	sdelay $0x1  }
0x99: {  	s4 =	simm.s32 $_scs_section_size  }
0x9a: {  	s5 =	simm.s32 $_size__tile_overlayer_lowered;
	s6 =	simm.s32 $_tile_overlayer_lowered  }
0x9b: {  	s22 =	simm.s32 $0x1BFF;
	s21 =	sshll.u32 s6, $0x1;
	s3 =	sadd.s32 s4, s19  }
0x9c: {  	s7 =	simm.s32 $0x0;
	s20 =	sshll.u32 s5, $0x1;
	s5 =	sadd.s32 s21, s3  }
0x9d: {  	[timem:s7], [sflag:s22] =	dma.local [hbm:s5], s20  }
0x9e: {  	_ =	swait.ge [sflag:s22], s20  }
0x9f: {  	s4 =	ssub.s32 $0x0, s20;
	[sflag:s22] =	ssyncset.done $0x0  }
0xa0: {  	[sflag:s22] =	ssyncadd.s32 s4;
	_ =	sdelay $0x1  }
0xa1: {  	s23 =	simm.s32 $0x1B8B  }
0xa2: {  	_ =	swait.ge [sflag:s23], $0x1  }
0xa3: {  	[sflag:s23] =	ssyncset.done $0x0  }
0xa4: {  	s25 =	simm.s32 $0x1B8E;
	s24 =	sld [smem:$0x3FFE];
	[sflag:s23] =	ssyncadd.s32 $0xFFFFFFFF  }
0xa5: {  	s26 =	simm.s32 $execute0_lowered;
	[smem:$0x3FD2] =	sst s25  }
0xa6: {  	s5 =	sshll.u32 s26, $0x1;
	_ =	strace $0x80000046;
	[dreg:$0x1] =	wrdreg $0xFFFFFFFF  }
0xa7: {  	s28 =	simm.s32 $_size_execute0_lowered;
	s3 =	sadd.s32 s3, s5;
	[dreg:$0x0] =	wrdreg $0x0  }
0xa8: {  	s5 =	sshll.u32 s28, $0x1;
	[dreg:$0x2] =	wrdreg s3  }
0xa9: {  	[dreg:$0x3] =	wrdreg s5  }
0xaa: {  	[dreg:$0x4] =	wrdreg $0xC0  }
0xab: {  	_ =	task [dreg:s7], $0x5FFFF  }
0xac: {  	[dreg:$0x1] =	wrdreg $0xFFFFFFFF  }
0xad: {  	[dreg:$0x0] =	wrdreg $0x60  }
0xae: {  	[dreg:$0x2] =	wrdreg s2  }
0xaf: {  	[dreg:$0x3] =	wrdreg s24  }
0xb0: {  	[dreg:$0x4] =	wrdreg $0x0  }
0xb1: {  	[dreg:$0x5] =	wrdreg $0x9  }
0xb2: {  	_ =	task.clear_ibuf [dreg:s7], $0x6FFFF;
	_ =	strace $0x90000046  }
0xb3: {  	s29 =	simm.s32 $0x9;
	_ =	strace $0x80000048  }
0xb4: {  	_ =	swait.ge [sflag:s29], $0x1  }
0xb5: {  	[sflag:s29] =	ssyncadd.s32 $0xFFFFFFFF  }
0xb6: {  	_ =	strace $0x90000048  }
0xb7: {  	_ =	sfence  }
0xb8: {  	s30 =	sld [smem:$0x0];
	_ =	sdelay $0x2  }
0xb9: {  	s31 =	sshll.u32 s1, $0xD;
	s1 =	sshrl.u32 s1, $0x2  }
0xba: {  	s3 =	sand.u32 $0x4000, s31;
	s1 =	sadd.s32 s1, s30  }
0xbb: {  	s0 =	sor.u32 s3, s0;
	s1 =	sshll.u32 s1, $0x11  }
0xbc: {  	s0 =	sor.u32 s1, s0  }
0xbd: {  	s0 =	sadd.s32 $0x8F2B, s0  }
0xbe: {  	[sflag:s0] =	ssyncadd.remote.s32 $0x1  }
0xbf: {  	_ =	sfence.sel $0xFFFF  }
0xc0: {  	[dreg:$0x0] =	wrdreg $0xFFFFFFFF;
	(pc) =	sbr.abs _section_cstart, $3  }
0xc1: {  	[dreg:$0x1] =	wrdreg $0xFFFFFFFF  }
0xc2: {  	_ =	task.clear_ibuf [dreg:s7], $0x2FFFF;
	_ =	strace $0x9FFFFFFF  }
0xc3: {  	(tm) =	ssettm $0x7FFFFFFF  }
tec
execute0_lowered:
.L_overlay_start_1:
0x0: {  	(tag) =	ssettag $0x1  }
0x1: {  	s22 =	stileid.u32  }
0x2: {  	s4 =	srdreg.scid;
	s7 =	smul.u32 $0xA000, s22  }
0x3: {  	s5 =	sand.u32 $0x1, s4;
	s9 =	smul.u32 $0x500, s22  }
0x4: {  	s8 =	sor.u32 $0x10, s22;
	s4 =	smul.u32 $0x27100, s5  }
0x5: {  	s1 =	rddreg [dreg:$0x0];
	s11 =	sor.u32 $0x20, s22;
	s12 =	smul.u32 $0x500, s8  }
0x6: {  	s0 =	rddreg [dreg:$0x1];
	s14 =	sor.u32 $0x30, s22;
	s15 =	smul.u32 $0x500, s11  }
0x7: {  	s2 =	rddreg [dreg:$0x2];
	s17 =	sor.u32 $0x50, s22;
	s16 =	smul.u32 $0x500, s14  }
0x8: {  	s3 =	simm.s32 $0x0;
	s20 =	sor.u32 $0x70, s22;
	s21 =	smul.u32 $0x500, s17  }
0x9: {  	[smem:$0x7FF] =	sst s3;
	s24 =	smul.u32 $0x500, s20  }
0xa: {  	s6 =	sadd.s32 $0xA600, s0;
	s19 =	sor.u32 $0x60, s22;
	s11 =	smul.u32 $0xA000, s11  }
0xb: {  	_ =	strace $0x80000047;
	s10 =	ssub.s32 $0x2, s5;
	s17 =	smul.u32 $0xA000, s17  }
0xc: {  	p0 =	sgt.u32 s20, $0x7C;
	s28 =	sor.u32 $0x20, s5;
	s29 =	sor.u32 $0x40, s5  }
0xd: {  	s30 =	sor.u32 $0x60, s5;
	s31 =	sor.u32 $0x80, s5;
	s13 =	sshrl.u32 s10, $0x1  }
0xe: {  	s7 =	sshrl.u32 s7, $0x2;
	s4 =	sadd.s32 s4, s0;
	s10 =	ssub.s32 s10, s13  }
0xf: {  	s13 =	sor.u32 $0x40, s22;
	s4 =	sadd.s32 $0x4EC600, s4;
	s10 =	smax.u32 s10, $0x1  }
0x10: {  	s18 =	smul.u32 $0x500, s13;
	s9 =	sadd.s32 s4, s9;
	[dreg:$0xc] =	wrdreg s10  }
0x11: {  	s13 =	smul.u32 $0xA000, s13;
	s12 =	sadd.s32 s4, s12;
	[dreg:$0x4] =	wrdreg s9  }
0x12: {  	s15 =	sadd.s32 s4, s15;
	s23 =	sadd.s32 s4, s16;
	[dreg:$0x5] =	wrdreg s12  }
0x13: {  	s26 =	sadd.s32 s4, s21;
	s16 =	sadd.s32 $0x600, s0;
	[dreg:$0x6] =	wrdreg s15  }
0x14: {  	s21 =	smul.u32 $0xA000, s19;
	s10 =	simm.s32 $0x16200;
	[dreg:$0x7] =	wrdreg s23  }
0x15: {  	s9 =	smul.u32 $0x500, s19;
	s25 =	sadd.s32 s4, s18;
	[dreg:$0x9] =	wrdreg s26  }
0x16: {  	s15 =	sadd.s32 $0x5600, s0;
	s12 =	smul.u32 $0xA000, s14;
	s23 =	sadd.s32 s7, s2  }
0x17: {  	s0 =	sshrl.u32 s11, $0x2;
	s7 =	simm.s32 $0x16080;
	s11 =	simm.s32 $0x16180  }
0x18: {  	[dreg:$0x8] =	wrdreg s25;
	s0 =	sadd.s32 s0, s2;
	s25 =	sshrl.u32 s17, $0x2  }
0x19: {  	s17 =	simm.s32 $0x4;
	s9 =	sadd.s32 s4, s9;
	s4 =	sadd.s32 s4, s24  }
0x1a: {  	s14 =	sshrl.u32 s12, $0x2;
	[dreg:$0xe] =	wrdreg s0;
	s24 =	smul.u32 $0xA000, s20  }
0x1b: {  	s0 =	sshrl.u32 s21, $0x2;
	s12 =	simm.s32 $0x18A00;
	[dreg:$0xa] =	wrdreg s9  }
0x1c: {  	[dreg:$0xb] =	wrdreg s4;
	s9 =	smul.u32 $0xA000, s8;
	s18 =	sadd.s32 s14, s2  }
0x1d: {  	s0 =	sadd.s32 s0, s2;
	s8 =	simm.s32 $0x16100;
	[dreg:$0xf] =	wrdreg s18  }
0x1e: {  	s14 =	simm.s32 $0x2;
	[dreg:$0x12] =	wrdreg s0;
	s4 =	sshrl.u32 s9, $0x2  }
0x1f: {  	s26 =	sshrl.u32 s24, $0x2;
	s0 =	simm.s32 $0x13880;
	s4 =	sadd.s32 s4, s2  }
0x20: {  	s18 =	simm.s32 $0x0;
	[dreg:$0xd] =	wrdreg s4;
	s4 =	sshrl.u32 s13, $0x2  }
0x21: {  	s9 =	simm.s32 $0x50;
	s13 =	simm.s32 $0x1;
	s4 =	sadd.s32 s4, s2  }
0x22: {  	v2 =	vlaneseq.u32;
	[dreg:$0x10] =	wrdreg s4;
	s4 =	sadd.s32 s25, s2;
	s25 =	sadd.s32 s26, s2  }
0x23: {  	v1 =	vimm.f32 $0.0e+00;
	v2 =	vmul.u32 $0x2, v2;
	v0 =	vmov s5;
	s26 =	smul.u32 $0x2710, s22;
	[dreg:$0x11] =	wrdreg s4;
	s4 =	simm.s32 $0x3  }
.LBB2_1:
0x24: {  	s19 =	simm.s32 $0x0;
	s20 =	simm.s32 $0x200  }
.LBB2_2:
0x25: {  	p1 =	sne.s32 s20, $0x9E00;
	[tilespmem:s19+$0x138F0] =	vst v1  }
0x26: {  	[tilespmem:s19+$0x13880] =	vst v1  }
0x27: {  	[tilespmem:s19+$0x13890] =	vst v1  }
.Ltmp0:
0x28: {  	[tilespmem:s19+$0x138A0] =	vst v1;
	(pc) =	sbr.rel @p1 .LBB2_2-.Ltmp0, $4  }
0x29: {  	[tilespmem:s19+$0x138B0] =	vst v1  }
0x2a: {  	[tilespmem:s19+$0x138C0] =	vst v1  }
0x2b: {  	[tilespmem:s19+$0x138D0] =	vst v1  }
0x2c: {  	[tilespmem:s19+$0x138E0] =	vst v1;
	s19 =	sshra.s32 s20, $0x2;
	s20 =	sadd.s32 $0x200, s20  }
0x2d: {  	[tilespmem:s19+$0x138F0] =	vst v1  }
0x2e: {  	[tilespmem:s19+$0x13880] =	vst v1  }
0x2f: {  	[tilespmem:s19+$0x13890] =	vst v1  }
0x30: {  	[tilespmem:s19+$0x138A0] =	vst v1  }
0x31: {  	[tilespmem:s19+$0x138B0] =	vst v1  }
0x32: {  	[tilespmem:s19+$0x138C0] =	vst v1  }
0x33: {  	[tilespmem:s19+$0x138D0] =	vst v1  }
0x34: {  	[tilespmem:s19+$0x138E0] =	vst v1  }
0x35: {  	[spmem:s23] =	stream.linear.scatter [tilespmem:s0], [sflag:$0x3], $0x2800, $0x38;
	[tilespmem:$0x1B200] =	vst v63  }
0x36: {  	_ =	swait.ge [sflag:s4], $0x2800  }
0x37: {  	[sflag:s4] =	ssyncset.done $0x0  }
0x38: {  	s22 =	rddreg [dreg:$0xd];
	[sflag:s4] =	ssyncadd.s32 $0xFFFFD800  }
0x39: {  	[spmem:s22] =	stream.linear.scatter [tilespmem:s0], [sflag:$0x3], $0x2800, $0x38;
	[tilespmem:$0x1B200] =	vst v63  }
0x3a: {  	_ =	swait.ge [sflag:s4], $0x2800  }
0x3b: {  	[sflag:s4] =	ssyncset.done $0x0  }
0x3c: {  	s24 =	smov.u32 s23;
	s23 =	rddreg [dreg:$0xe];
	[sflag:s4] =	ssyncadd.s32 $0xFFFFD800  }
0x3d: {  	[spmem:s23] =	stream.linear.scatter [tilespmem:s0], [sflag:$0x3], $0x2800, $0x38;
	[tilespmem:$0x1B200] =	vst v63  }
0x3e: {  	_ =	swait.ge [sflag:s4], $0x2800  }
0x3f: {  	[sflag:s4] =	ssyncset.done $0x0  }
0x40: {  	s20 =	rddreg [dreg:$0xf];
	[sflag:s4] =	ssyncadd.s32 $0xFFFFD800  }
0x41: {  	[spmem:s20] =	stream.linear.scatter [tilespmem:s0], [sflag:$0x3], $0x2800, $0x38;
	[tilespmem:$0x1B200] =	vst v63  }
0x42: {  	_ =	swait.ge [sflag:s4], $0x2800  }
0x43: {  	[sflag:s4] =	ssyncset.done $0x0  }
0x44: {  	s21 =	rddreg [dreg:$0x10];
	[sflag:s4] =	ssyncadd.s32 $0xFFFFD800  }
0x45: {  	[spmem:s21] =	stream.linear.scatter [tilespmem:s0], [sflag:$0x3], $0x2800, $0x38;
	[tilespmem:$0x1B200] =	vst v63  }
0x46: {  	_ =	swait.ge [sflag:s4], $0x2800  }
0x47: {  	[sflag:s4] =	ssyncset.done $0x0  }
0x48: {  	s22 =	rddreg [dreg:$0x11];
	[sflag:s4] =	ssyncadd.s32 $0xFFFFD800  }
0x49: {  	[spmem:s22] =	stream.linear.scatter [tilespmem:s0], [sflag:$0x3], $0x2800, $0x38;
	[tilespmem:$0x1B200] =	vst v63  }
0x4a: {  	_ =	swait.ge [sflag:s4], $0x2800  }
0x4b: {  	[sflag:s4] =	ssyncset.done $0x0  }
0x4c: {  	s23 =	rddreg [dreg:$0x12];
	[sflag:s4] =	ssyncadd.s32 $0xFFFFD800  }
0x4d: {  	[spmem:s23] =	stream.linear.scatter [tilespmem:s0], [sflag:$0x3], $0x2800, $0x38;
	[tilespmem:$0x1B200] =	vst v63  }
0x4e: {  	_ =	swait.ge [sflag:s4], $0x2800  }
0x4f: {  	[sflag:s4] =	ssyncset.done $0x0  }
0x50: {  	s19 =	simm.s32 @!p0 $0x13880;
	[sflag:s4] =	ssyncadd.s32 $0xFFFFD800  }
0x51: {  	[spmem:s25] =	stream.linear.scatter @!p0 [tilespmem:s19], [sflag:$0x3], $0x2800, $0x38;
	[tilespmem:$0x1B200] =	vst v63  }
0x52: {  	s19 =	simm.s32 @!p0 $0x3  }
0x53: {  	_ =	swait.ge @!p0 [sflag:s19], $0x2800  }
0x54: {  	[sflag:s19] =	ssyncset.done @!p0 $0x0  }
0x55: {  	[sflag:s19] =	ssyncadd.s32 @!p0 $0xFFFFD800  }
0x56: {  	s20 =	simm.s32 $0x0;
	s19 =	simm.s32 $0x0;
	[bflag:$0x0] =	sbarrier.arrive $0xFFFF  }
.LBB2_4:
0x57: {  	s21 =	smul.u32 $0x50, s20;
	_ =	sdelay $0x1  }
0x58: {  	s21 =	sadd.s32 s26, s21  }
0x59: {  	s22 =	sshrl.u32 s21, $0x3  }
0x5a: {  	s23 =	sadd.s32 s15, s22  }
0x5b: {  	[tilespmem:s7], [sflag:$0x3] =	stream.linear.gather [hbm4b:s23+s19], $0x50, $0x38;
	[tilespmem:$0x1B200] =	vst v63  }
0x5c: {  	_ =	swait.ge [sflag:s4], $0x50  }
0x5d: {  	[sflag:s4] =	ssyncset.done $0x0  }
0x5e: {  	s22 =	sadd.s32 s16, s22;
	[sflag:s4] =	ssyncadd.s32 $0xFFFFFFB0  }
0x5f: {  	[tilespmem:s8], [sflag:$0x3] =	stream.linear.gather [hbm4b:s22+s19], $0x50, $0x38;
	[tilespmem:$0x1B200] =	vst v63  }
0x60: {  	_ =	swait.ge [sflag:s4], $0x50  }
0x61: {  	[sflag:s4] =	ssyncset.done $0x0  }
0x62: {  	[sflag:s4] =	ssyncadd.s32 $0xFFFFFFB0  }
0x63: {  	v3 =	vld [tilespmem:$0x16080];
	_ =	sdelay $0x1  }
0x64: {  	v4 =	vld [tilespmem:$0x16090];
	_ =	sdelay $0x1  }
0x65: {  	v5 =	vld [tilespmem:$0x160A0]  }
0x66: {  	s21 =	sshll.u32 s21, $0x1;
	v3 =	vshll.u32 v3, $0x1  }
0x67: {  	s23 =	sor.u32 s5, s21;
	v6 =	vld [tilespmem:$0x160B0];
	v3 =	vor.u32 v0, v3  }
0x68: {  	v4 =	vshll.u32 v4, $0x1;
	[tilespmem:$0x16080] =	vst v3;
	v3 =	vor.u32 s23, v2  }
0x69: {  	s23 =	sadd.s32 s28, s21;
	[tilespmem:$0x16180] =	vst v3;
	v3 =	vor.u32 v0, v4;
	v4 =	vld [tilespmem:$0x160C0]  }
0x6a: {  	v5 =	vshll.u32 v5, $0x1;
	[tilespmem:$0x16090] =	vst v3;
	v3 =	vor.u32 s23, v2  }
0x6b: {  	s23 =	sadd.s32 s29, s21;
	[tilespmem:$0x16190] =	vst v3;
	v3 =	vor.u32 v0, v5  }
0x6c: {  	v5 =	vshll.u32 v6, $0x1;
	[tilespmem:$0x160A0] =	vst v3;
	v3 =	vor.u32 s23, v2  }
0x6d: {  	s23 =	sadd.s32 s30, s21;
	[tilespmem:$0x161A0] =	vst v3;
	v3 =	vor.u32 v0, v5  }
0x6e: {  	[tilespmem:$0x160B0] =	vst v3;
	v3 =	vor.u32 s23, v2;
	v4 =	vshll.u32 v4, $0x1  }
0x6f: {  	s21 =	sadd.s32 s31, s21;
	[tilespmem:$0x161B0] =	vst v3;
	v3 =	vor.u32 v0, v4  }
0x70: {  	[tilespmem:$0x160C0] =	vst v3;
	v3 =	vor.u32 s21, v2  }
0x71: {  	[tilespmem:$0x161C0] =	vst v3  }
0x72: {  	[tilespmem:s10], [sflag:$0x1] =	stream.indirect.gather [hbm4b:s1+s9], $0x80, s7, s9, $0xb8;
	[tilespmem:$0x1B200] =	vst v63  }
0x73: {  	_ = 	snop  }
0x74: {  	[tilespmem:s12], [sflag:$0x2] =	stream.indirect.gather [hbm4b:s6+s9], $0x80, s11, s9, $0xb8;
	[tilespmem:$0x1B200] =	vst v63  }
0x75: {  	_ =	swait.ge [sflag:s13], $0x2800  }
0x76: {  	[sflag:s13] =	ssyncset.done $0x0  }
0x77: {  	[sflag:s13] =	ssyncadd.s32 $0xFFFFD800  }
0x78: {  	_ =	swait.ge [sflag:s14], $0x2800  }
0x79: {  	[sflag:s14] =	ssyncset.done $0x0  }
0x7a: {  	s21 =	simm.s32 $0x0;
	[sflag:s14] =	ssyncadd.s32 $0xFFFFD800  }
0x7b: {  	v10 =	vld [tilespmem:s21+$0x18A00]  }
0x7c: {  	v14 =	vld [tilespmem:s21+$0x18A10]  }
0x7d: {  	v8 =	vld [tilespmem:s21+$0x18A20]  }
0x7e: {  	v7 =	vld [tilespmem:s21+$0x18A30]  }
0x7f: {  	v6 =	vld [tilespmem:s21+$0x18A40]  }
0x80: {  	v5 =	vld [tilespmem:s21+$0x18A50]  }
0x81: {  	v4 =	vld [tilespmem:s21+$0x18A60]  }
0x82: {  	v3 =	vld [tilespmem:s21+$0x18A70]  }
0x83: {  	v15 =	vld [tilespmem:s21+$0x16200]  }
0x84: {  	v16 =	vld [tilespmem:s21+$0x16210]  }
0x85: {  	v13 =	vld [tilespmem:s21+$0x16220]  }
0x86: {  	v12 =	vld [tilespmem:s21+$0x16230]  }
0x87: {  	v11 =	vld [tilespmem:s21+$0x16240]  }
0x88: {  	v9 =	vld [tilespmem:s21+$0x16250];
	v15 =	vadd.f32 v10, v15  }
0x89: {  	s22 =	simm.s32 $0x200;
	v14 =	vadd.f32 v14, v16;
	v10 =	vld [tilespmem:s21+$0x16260]  }
.LBB2_5:
0x8a: {  	s23 =	sshra.s32 s22, $0x2;
	p1 =	sne.s32 s22, $0x9E00;
	[tilespmem:s21+$0x16200] =	vst v15;
	v8 =	vadd.f32 v8, v13;
	v13 =	vld [tilespmem:s21+$0x16270]  }
0x8b: {  	v15 =	vld [tilespmem:s23+$0x18A00];
	[tilespmem:s21+$0x16210] =	vst v14;
	v7 =	vadd.f32 v7, v12  }
0x8c: {  	v14 =	vld [tilespmem:s23+$0x18A10];
	[tilespmem:s21+$0x16220] =	vst v8;
	v6 =	vadd.f32 v6, v11  }
0x8d: {  	v8 =	vld [tilespmem:s23+$0x18A20];
	[tilespmem:s21+$0x16230] =	vst v7;
	v5 =	vadd.f32 v5, v9  }
0x8e: {  	v7 =	vld [tilespmem:s23+$0x18A30];
	[tilespmem:s21+$0x16240] =	vst v6;
	v4 =	vadd.f32 v4, v10  }
0x8f: {  	v6 =	vld [tilespmem:s23+$0x18A40];
	[tilespmem:s21+$0x16250] =	vst v5;
	v3 =	vadd.f32 v3, v13  }
0x90: {  	v5 =	vld [tilespmem:s23+$0x18A50];
	[tilespmem:s21+$0x16260] =	vst v4  }
0x91: {  	v4 =	vld [tilespmem:s23+$0x18A60];
	[tilespmem:s21+$0x16270] =	vst v3;
	s21 =	smov.u32 s23  }
0x92: {  	v3 =	vld [tilespmem:s21+$0x18A70]  }
0x93: {  	v9 =	vld [tilespmem:s21+$0x16200]  }
0x94: {  	v10 =	vld [tilespmem:s21+$0x16210]  }
.Ltmp1:
0x95: {  	v13 =	vld [tilespmem:s21+$0x16220];
	(pc) =	sbr.rel @p1 .LBB2_5-.Ltmp1, $4  }
0x96: {  	v12 =	vld [tilespmem:s21+$0x16230]  }
0x97: {  	v11 =	vld [tilespmem:s21+$0x16240]  }
0x98: {  	v15 =	vadd.f32 v15, v9;
	v9 =	vld [tilespmem:s21+$0x16250]  }
0x99: {  	s22 =	sadd.s32 $0x200, s22;
	v14 =	vadd.f32 v14, v10;
	v10 =	vld [tilespmem:s21+$0x16260]  }
0x9a: {  	[tilespmem:s21+$0x16200] =	vst v15;
	v8 =	vadd.f32 v8, v13;
	v63 =	vld [tilespmem:s21+$0x16270]  }
0x9b: {  	[tilespmem:s21+$0x16210] =	vst v14;
	v7 =	vadd.f32 v7, v12  }
0x9c: {  	[tilespmem:s21+$0x16220] =	vst v8;
	v6 =	vadd.f32 v6, v11  }
0x9d: {  	[tilespmem:s21+$0x16230] =	vst v7;
	v5 =	vadd.f32 v5, v9  }
0x9e: {  	[tilespmem:s21+$0x16240] =	vst v6;
	v4 =	vadd.f32 v4, v10  }
0x9f: {  	s20 =	sadd.s32 $0x1, s20;
	[tilespmem:s21+$0x16250] =	vst v5;
	v3 =	vadd.f32 v3, v63  }
0xa0: {  	p1 =	sne.s32 s20, $0x7D;
	[tilespmem:s21+$0x16260] =	vst v4  }
.Ltmp2:
0xa1: {  	[tilespmem:s21+$0x16270] =	vst v3;
	(pc) =	sbr.rel @p1 .LBB2_4-.Ltmp2, $4  }
0xa2: {  	[spmem:s2] =	stream.indirect.scatter.add.f32 [tilespmem:s10], [sflag:$0x3], $0x80, s8, s9, $0xb8;
	[tilespmem:$0x1B200] =	vst v63  }
0xa3: {  	_ =	swait.ge [sflag:s4], $0x2800  }
0xa4: {  	[sflag:s4] =	ssyncset.done $0x0  }
0xa5: {  	[sflag:s4] =	ssyncadd.s32 $0xFFFFD800  }
0xa6: {  	[bflag:$0x0] =	sbarrier.arrive $0xFFFF  }
0xa7: {  	[tilespmem:s0], [sflag:$0x4] =	stream.linear.gather [spmem:s24], $0x2800, $0x38;
	[tilespmem:$0x1B200] =	vst v63  }
0xa8: {  	_ =	swait.ge [sflag:s17], $0x2800  }
0xa9: {  	[sflag:s17] =	ssyncset.done $0x0  }
0xaa: {  	s19 =	rddreg [dreg:$0x4];
	[sflag:s17] =	ssyncadd.s32 $0xFFFFD800  }
0xab: {  	[hbm4b:s19+s3] =	stream.linear.scatter [tilespmem:s0], [sflag:$0x3], $0x2800, $0x38;
	[tilespmem:$0x1B200] =	vst v63  }
0xac: {  	_ =	swait.ge [sflag:s4], $0x2800  }
0xad: {  	[sflag:s4] =	ssyncset.done $0x0  }
0xae: {  	s23 =	smov.u32 s24;
	s24 =	rddreg [dreg:$0xd];
	[sflag:s4] =	ssyncadd.s32 $0xFFFFD800  }
0xaf: {  	[tilespmem:s0], [sflag:$0x4] =	stream.linear.gather [spmem:s24], $0x2800, $0x38;
	[tilespmem:$0x1B200] =	vst v63  }
0xb0: {  	_ =	swait.ge [sflag:s17], $0x2800  }
0xb1: {  	[sflag:s17] =	ssyncset.done $0x0  }
0xb2: {  	s20 =	rddreg [dreg:$0x5];
	[sflag:s17] =	ssyncadd.s32 $0xFFFFD800  }
0xb3: {  	[hbm4b:s20+s3] =	stream.linear.scatter [tilespmem:s0], [sflag:$0x3], $0x2800, $0x38;
	[tilespmem:$0x1B200] =	vst v63  }
0xb4: {  	_ =	swait.ge [sflag:s4], $0x2800  }
0xb5: {  	[sflag:s4] =	ssyncset.done $0x0  }
0xb6: {  	s21 =	rddreg [dreg:$0xe];
	[sflag:s4] =	ssyncadd.s32 $0xFFFFD800  }
0xb7: {  	[tilespmem:s0], [sflag:$0x4] =	stream.linear.gather [spmem:s21], $0x2800, $0x38;
	[tilespmem:$0x1B200] =	vst v63  }
0xb8: {  	_ =	swait.ge [sflag:s17], $0x2800  }
0xb9: {  	[sflag:s17] =	ssyncset.done $0x0  }
0xba: {  	s22 =	rddreg [dreg:$0x6];
	[sflag:s17] =	ssyncadd.s32 $0xFFFFD800  }
0xbb: {  	[hbm4b:s22+s3] =	stream.linear.scatter [tilespmem:s0], [sflag:$0x3], $0x2800, $0x38;
	[tilespmem:$0x1B200] =	vst v63  }
0xbc: {  	_ =	swait.ge [sflag:s4], $0x2800  }
0xbd: {  	[sflag:s4] =	ssyncset.done $0x0  }
0xbe: {  	s24 =	rddreg [dreg:$0xf];
	[sflag:s4] =	ssyncadd.s32 $0xFFFFD800  }
0xbf: {  	[tilespmem:s0], [sflag:$0x4] =	stream.linear.gather [spmem:s24], $0x2800, $0x38;
	[tilespmem:$0x1B200] =	vst v63  }
0xc0: {  	_ =	swait.ge [sflag:s17], $0x2800  }
0xc1: {  	[sflag:s17] =	ssyncset.done $0x0  }
0xc2: {  	s20 =	rddreg [dreg:$0x7];
	[sflag:s17] =	ssyncadd.s32 $0xFFFFD800  }
0xc3: {  	[hbm4b:s20+s3] =	stream.linear.scatter [tilespmem:s0], [sflag:$0x3], $0x2800, $0x38;
	[tilespmem:$0x1B200] =	vst v63  }
0xc4: {  	_ =	swait.ge [sflag:s4], $0x2800  }
0xc5: {  	[sflag:s4] =	ssyncset.done $0x0  }
0xc6: {  	s21 =	rddreg [dreg:$0x10];
	[sflag:s4] =	ssyncadd.s32 $0xFFFFD800  }
0xc7: {  	[tilespmem:s0], [sflag:$0x4] =	stream.linear.gather [spmem:s21], $0x2800, $0x38;
	[tilespmem:$0x1B200] =	vst v63  }
0xc8: {  	_ =	swait.ge [sflag:s17], $0x2800  }
0xc9: {  	[sflag:s17] =	ssyncset.done $0x0  }
0xca: {  	s22 =	rddreg [dreg:$0x8];
	[sflag:s17] =	ssyncadd.s32 $0xFFFFD800  }
0xcb: {  	[hbm4b:s22+s3] =	stream.linear.scatter [tilespmem:s0], [sflag:$0x3], $0x2800, $0x38;
	[tilespmem:$0x1B200] =	vst v63  }
0xcc: {  	_ =	swait.ge [sflag:s4], $0x2800  }
0xcd: {  	[sflag:s4] =	ssyncset.done $0x0  }
0xce: {  	s24 =	rddreg [dreg:$0x11];
	[sflag:s4] =	ssyncadd.s32 $0xFFFFD800  }
0xcf: {  	[tilespmem:s0], [sflag:$0x4] =	stream.linear.gather [spmem:s24], $0x2800, $0x38;
	[tilespmem:$0x1B200] =	vst v63  }
0xd0: {  	_ =	swait.ge [sflag:s17], $0x2800  }
0xd1: {  	[sflag:s17] =	ssyncset.done $0x0  }
0xd2: {  	s20 =	rddreg [dreg:$0x9];
	[sflag:s17] =	ssyncadd.s32 $0xFFFFD800  }
0xd3: {  	[hbm4b:s20+s3] =	stream.linear.scatter [tilespmem:s0], [sflag:$0x3], $0x2800, $0x38;
	[tilespmem:$0x1B200] =	vst v63  }
0xd4: {  	_ =	swait.ge [sflag:s4], $0x2800  }
0xd5: {  	[sflag:s4] =	ssyncset.done $0x0  }
0xd6: {  	s21 =	rddreg [dreg:$0x12];
	[sflag:s4] =	ssyncadd.s32 $0xFFFFD800  }
0xd7: {  	[tilespmem:s0], [sflag:$0x4] =	stream.linear.gather [spmem:s21], $0x2800, $0x38;
	[tilespmem:$0x1B200] =	vst v63  }
0xd8: {  	_ =	swait.ge [sflag:s17], $0x2800  }
0xd9: {  	[sflag:s17] =	ssyncset.done $0x0  }
0xda: {  	s22 =	rddreg [dreg:$0xa];
	[sflag:s17] =	ssyncadd.s32 $0xFFFFD800  }
0xdb: {  	[hbm4b:s22+s3] =	stream.linear.scatter [tilespmem:s0], [sflag:$0x3], $0x2800, $0x38;
	[tilespmem:$0x1B200] =	vst v63  }
0xdc: {  	_ =	swait.ge [sflag:s4], $0x2800  }
0xdd: {  	[sflag:s4] =	ssyncset.done $0x0  }
0xde: {  	s19 =	simm.s32 @!p0 $0x13880;
	s20 =	simm.s32 @!p0 $0x4;
	[sflag:s4] =	ssyncadd.s32 $0xFFFFD800  }
0xdf: {  	[tilespmem:s19], [sflag:$0x4] =	stream.linear.gather @!p0 [spmem:s25], $0x2800, $0x38;
	[tilespmem:$0x1B200] =	vst v63  }
0xe0: {  	_ =	swait.ge @!p0 [sflag:s20], $0x2800  }
0xe1: {  	[sflag:s20] =	ssyncset.done @!p0 $0x0  }
0xe2: {  	s21 =	rddreg [dreg:$0xb];
	[sflag:s20] =	ssyncadd.s32 @!p0 $0xFFFFD800;
	s20 =	simm.s32 @!p0 $0x0  }
0xe3: {  	[hbm4b:s21+s20] =	stream.linear.scatter @!p0 [tilespmem:s19], [sflag:$0x3], $0x2800, $0x38;
	[tilespmem:$0x1B200] =	vst v63  }
0xe4: {  	s19 =	simm.s32 @!p0 $0x3  }
0xe5: {  	_ =	swait.ge @!p0 [sflag:s19], $0x2800  }
0xe6: {  	s18 =	sadd.s32 $0x1, s18;
	s24 =	rddreg [dreg:$0xc]  }
0xe7: {  	p1 =	sne.s32 s18, s24  }
.Ltmp3:
0xe8: {  	_ = 	snop;
	(pc) =	sbr.rel @p1 .LBB2_1-.Ltmp3, $3  }
0xe9: {  	_ =	sdelay $0x1  }
0xea: {  	[sflag:s19] =	ssyncset.done @!p0 $0x0  }
0xeb: {  	[sflag:s19] =	ssyncadd.s32 @!p0 $0xFFFFD800  }
0xec: {  	_ =	sfence.sel $0x180000  }
0xed: {  	[bflag:$0x0] =	sbarrier.arrive $0xFFFF  }
0xee: {  	_ =	strace $0x90000047  }
0xef: {  	s0 =	stileid.u32;
	[bflag:$0x2] =	sbarrier.arrive $0xFFFF  }
0xf0: {  	p0 =	sne.s32 s0, $0x0;
	s0 =	rddreg [dreg:$0x3]  }
0xf1: {  	s0 =	sadd.s32 @!p0 $0x100000, s0  }
0xf2: {  	[sflag:s0] =	ssyncadd.tile.s32 @!p0 $0x1;
	_ =	shalt  }
.Lfunc_end2:
_tile_overlayer_lowered:
.L_overlay_start_2:
0xf3: {  	(tag) =	ssettag $0x2  }
0xf4: {  	s0 =	rddreg [dreg:$0x0];
	s2 =	stileid.u32  }
0xf5: {  	s1 =	rddreg [dreg:$0x1];
	p0 =	sne.s32 s2, $0x0  }
0xf6: {  	s3 =	rddreg [dreg:$0x2];
	[bflag:$0x3] =	sbarrier.arrive $0xFFFF;
	s2 =	simm.s32 @!p0 $0x1C03  }
0xf7: {  	[timem:s3], [sflag:s2] =	dma.local @!p0 [hbm:s0], s1  }
0xf8: {  	s0 =	simm.s32 @!p0 $0x3  }
0xf9: {  	_ =	swait.ge @!p0 [sflag:s0], s1  }
0xfa: {  	s1 =	ssub.s32 @!p0 $0x0, s1;
	[sflag:s0] =	ssyncset.done @!p0 $0x0  }
0xfb: {  	[sflag:s0] =	ssyncadd.s32 @!p0 s1  }
0xfc: {  	[bflag:$0x3] =	sbarrier.arrive $0xFFFF  }
0xfd: {  	_ =	shalt  }

</sc_bundles>
